<compile_context>
chip_gen: v7x
topology: tpu7x:2x2x1
jax: 0.10.2.dev20260603
libtpu: 0.0.44.dev20260713+nightly
codegen_flags: <defaults>
</compile_context>

<pallas_src>
import functools

import jax
import jax.numpy as jnp
from jax import lax
from jax.experimental import pallas as pl
from jax.experimental.pallas import tpu as pltpu
from jax.experimental.pallas import tpu_sc as plsc

_CH = 128
_SPLIT0 = 65
_BR = 512
_BN_C = 0.9999950000374997


def _agg128(h, srcp, dstp, zeros, n_pad, cpt):
    npt = n_pad // 16
    cpt0 = (2 * cpt * _SPLIT0 + 50) // 100
    cpt1 = 2 * cpt - cpt0
    mesh = plsc.VectorSubcoreMesh(core_axis_name="c", subcore_axis_name="s")

    @functools.partial(
        pl.kernel,
        out_type=jax.ShapeDtypeStruct((2, n_pad, 128), jnp.float32),
        mesh=mesh,
        scratch_types=[
            pltpu.VMEM((_CH,), jnp.int32),
            pltpu.VMEM((_CH,), jnp.int32),
            pltpu.VMEM((_CH, 128), jnp.float32),
            pltpu.VMEM_SHARED((n_pad, 128), jnp.float32),
            pltpu.SemaphoreType.DMA,
        ],
    )
    def k(h_hbm, src_hbm, dst_hbm, z_hbm, out_hbm,
          sidx, didx, rows, acc, gsem):
        c = lax.axis_index("c")
        s = lax.axis_index("s")
        pltpu.sync_copy(z_hbm.at[pl.ds(s * npt, npt)],
                        acc.at[pl.ds(s * npt, npt)])
        plsc.subcore_barrier()

        tb = s * (cpt0 + cpt1) + c * cpt0
        tn = jnp.where(c == 0, cpt0, cpt1)

        def body(i, carry):
            base = pl.multiple_of((tb + i) * _CH, _CH)
            pltpu.sync_copy(src_hbm.at[pl.ds(base, _CH)], sidx)
            pltpu.sync_copy(dst_hbm.at[pl.ds(base, _CH)], didx)
            pltpu.async_copy(h_hbm.at[sidx], rows, gsem).wait()
            pltpu.sync_copy(rows, acc.at[didx], add=True)
            return carry

        lax.fori_loop(0, tn, body, 0)
        plsc.subcore_barrier()
        pltpu.sync_copy(acc.at[pl.ds(s * npt, npt)],
                        out_hbm.at[c, pl.ds(s * npt, npt)])

    return k(h, srcp, dstp, zeros)


def _layer1_tc(h, p, w1, b1, w2, b2, g, bb, n_pad):
    def body(h_ref, p_ref, w1_ref, b1_ref, w2_ref, b2_ref, g_ref, bb_ref, o_ref):
        m = h_ref[...] + p_ref[0] + p_ref[1]
        t = jnp.maximum(
            jnp.dot(m, w1_ref[...], preferred_element_type=jnp.float32)
            + b1_ref[...], 0.0)
        u = (jnp.dot(t, w2_ref[...], preferred_element_type=jnp.float32)
             + b2_ref[...])
        o_ref[...] = (jnp.maximum(u, 0.0) * (g_ref[...] * _BN_C) + bb_ref[...])

    nb = n_pad // _BR
    return pl.pallas_call(
        body,
        grid=(nb,),
        in_specs=[
            pl.BlockSpec((_BR, 128), lambda i: (i, 0)),
            pl.BlockSpec((2, _BR, 128), lambda i: (0, i, 0)),
            pl.BlockSpec((128, 128), lambda i: (0, 0)),
            pl.BlockSpec((1, 128), lambda i: (0, 0)),
            pl.BlockSpec((128, 128), lambda i: (0, 0)),
            pl.BlockSpec((1, 128), lambda i: (0, 0)),
            pl.BlockSpec((1, 128), lambda i: (0, 0)),
            pl.BlockSpec((1, 128), lambda i: (0, 0)),
        ],
        out_specs=pl.BlockSpec((_BR, 128), lambda i: (i, 0)),
        out_shape=jax.ShapeDtypeStruct((n_pad, 128), jnp.float32),
    )(h, p, w1, b1, w2, b2, g, bb)


def _layer2_tc(h, p, w1, b1, w2, b2, g, bb, n_pad):
    def body(h_ref, p_ref, w1_ref, b1_ref, w2_ref, b2_ref, g_ref, bb_ref, o_ref):
        m = h_ref[...] + p_ref[0] + p_ref[1]
        t = jnp.maximum(
            jnp.dot(m, w1_ref[...], preferred_element_type=jnp.float32)
            + b1_ref[...], 0.0)
        u = (jnp.dot(t, w2_ref[...], preferred_element_type=jnp.float32)
             + b2_ref[...])
        h2 = jnp.maximum(u, 0.0) * (g_ref[...] * _BN_C) + bb_ref[...]
        o_ref[0] = h2[:, :128]
        o_ref[1] = h2[:, 128:]

    nb = n_pad // _BR
    return pl.pallas_call(
        body,
        grid=(nb,),
        in_specs=[
            pl.BlockSpec((_BR, 128), lambda i: (i, 0)),
            pl.BlockSpec((2, _BR, 128), lambda i: (0, i, 0)),
            pl.BlockSpec((128, 256), lambda i: (0, 0)),
            pl.BlockSpec((1, 256), lambda i: (0, 0)),
            pl.BlockSpec((256, 256), lambda i: (0, 0)),
            pl.BlockSpec((1, 256), lambda i: (0, 0)),
            pl.BlockSpec((1, 256), lambda i: (0, 0)),
            pl.BlockSpec((1, 256), lambda i: (0, 0)),
        ],
        out_specs=pl.BlockSpec((2, _BR, 128), lambda i: (0, i, 0)),
        out_shape=jax.ShapeDtypeStruct((2, n_pad, 128), jnp.float32),
    )(h, p, w1, b1, w2, b2, g, bb)


def _layer3_tc(hh, pa, pb, w1, b1, w2, b2, g, bb, n_pad):
    def body(hh_ref, pa_ref, pb_ref, w1_ref, b1_ref, w2_ref, b2_ref,
             g_ref, bb_ref, o_ref):
        m0 = hh_ref[0] + pa_ref[0] + pa_ref[1]
        m1 = hh_ref[1] + pb_ref[0] + pb_ref[1]
        m = jnp.concatenate([m0, m1], axis=1)
        t = jnp.maximum(
            jnp.dot(m, w1_ref[...], preferred_element_type=jnp.float32)
            + b1_ref[...], 0.0)
        u = (jnp.dot(t, w2_ref[...], preferred_element_type=jnp.float32)
             + b2_ref[...])
        o_ref[...] = jnp.maximum(u, 0.0) * (g_ref[...] * _BN_C) + bb_ref[...]

    nb = n_pad // _BR
    return pl.pallas_call(
        body,
        grid=(nb,),
        in_specs=[
            pl.BlockSpec((2, _BR, 128), lambda i: (0, i, 0)),
            pl.BlockSpec((2, _BR, 128), lambda i: (0, i, 0)),
            pl.BlockSpec((2, _BR, 128), lambda i: (0, i, 0)),
            pl.BlockSpec((256, 256), lambda i: (0, 0)),
            pl.BlockSpec((1, 256), lambda i: (0, 0)),
            pl.BlockSpec((256, 256), lambda i: (0, 0)),
            pl.BlockSpec((1, 256), lambda i: (0, 0)),
            pl.BlockSpec((1, 256), lambda i: (0, 0)),
            pl.BlockSpec((1, 256), lambda i: (0, 0)),
        ],
        out_specs=pl.BlockSpec((_BR, 256), lambda i: (i, 0)),
        out_shape=jax.ShapeDtypeStruct((n_pad, 256), jnp.float32),
    )(hh, pa, pb, w1, b1, w2, b2, g, bb)


def _pool_tc(batch_r, h3, n_pad, n_graphs):
    def body(b_ref, h_ref, s_ref, c_ref):
        i = pl.program_id(0)

        @pl.when(i == 0)
        def _():
            s_ref[...] = jnp.zeros_like(s_ref)
            c_ref[...] = jnp.zeros_like(c_ref)

        bvals = b_ref[0]
        ids = lax.broadcasted_iota(jnp.int32, (n_graphs, _BR), 0)
        oh = (ids == bvals).astype(jnp.float32)
        s_ref[...] += jnp.dot(oh, h_ref[...],
                              preferred_element_type=jnp.float32)
        cnt = jnp.sum(oh, axis=1, keepdims=True)
        c_ref[...] += jnp.broadcast_to(cnt, (n_graphs, 128))

    nb = n_pad // _BR
    return pl.pallas_call(
        body,
        grid=(nb,),
        in_specs=[
            pl.BlockSpec((1, 1, _BR), lambda i: (i, 0, 0)),
            pl.BlockSpec((_BR, 256), lambda i: (i, 0)),
        ],
        out_specs=[
            pl.BlockSpec((n_graphs, 256), lambda i: (0, 0)),
            pl.BlockSpec((n_graphs, 128), lambda i: (0, 0)),
        ],
        out_shape=[
            jax.ShapeDtypeStruct((n_graphs, 256), jnp.float32),
            jax.ShapeDtypeStruct((n_graphs, 128), jnp.float32),
        ],
    )(batch_r, h3)


def _head_tc(sums, cnts, gxp, w1a, w1b, b1, w2, b2, w3, b3, n_graphs):
    def body(s_ref, c_ref, gx_ref, w1a_ref, w1b_ref, b1_ref, w2_ref, b2_ref,
             w3_ref, b3_ref, o_ref):
        cnt = jnp.maximum(c_ref[:, 0:1], 1.0)
        z0 = s_ref[...] / cnt
        z1 = jnp.maximum(
            jnp.dot(z0, w1a_ref[...], preferred_element_type=jnp.float32)
            + jnp.dot(gx_ref[...], w1b_ref[...],
                      preferred_element_type=jnp.float32)
            + b1_ref[...], 0.0)
        z2 = jnp.maximum(
            jnp.dot(z1, w2_ref[...], preferred_element_type=jnp.float32)
            + b2_ref[...], 0.0)
        o_ref[...] = (jnp.dot(z2, w3_ref[...],
                              preferred_element_type=jnp.float32)
                      + b3_ref[...])

    full = lambda shape: pl.BlockSpec(shape, lambda: tuple(0 for _ in shape))
    return pl.pallas_call(
        body,
        in_specs=[
            full((n_graphs, 256)), full((n_graphs, 128)),
            full((n_graphs, 128)),
            full((256, 128)), full((128, 128)), full((1, 128)),
            full((128, 128)), full((1, 128)),
            full((128, 128)), full((1, 128)),
        ],
        out_specs=full((n_graphs, 128)),
        out_shape=jax.ShapeDtypeStruct((n_graphs, 128), jnp.float32),
    )(sums, cnts, gxp, w1a, w1b, b1, w2, b2, w3, b3)


def kernel(x, edge_index, batch, global_x, params):
    n, d = x.shape
    e = edge_index.shape[1]
    g_graphs, gd = global_x.shape

    n_pad = ((n + _BR - 1) // _BR) * _BR
    if n_pad == n:
        n_pad += _BR
    cpt = (e + 32 * _CH - 1) // (32 * _CH)
    e_pad = 32 * cpt * _CH

    f32 = jnp.float32
    xp = jnp.pad(x, ((0, n_pad - n), (0, 0)))
    srcp = jnp.concatenate(
        [edge_index[0], jnp.zeros((e_pad - e,), jnp.int32)])
    dstp = jnp.concatenate(
        [edge_index[1], jnp.full((e_pad - e,), n, jnp.int32)])
    zeros = jnp.zeros((n_pad, 128), f32)
    batch_r = jnp.pad(batch, (0, n_pad - n), constant_values=g_graphs)
    batch_r = batch_r.reshape(n_pad // _BR, 1, _BR)

    w11, b11, w12, b12 = params['mlp1']
    w21, b21, w22, b22 = params['mlp2']
    w31, b31, w32, b32 = params['mlp3']
    row = lambda v: v.reshape(1, -1)
    g1, bb1 = row(params['bn1_g']), row(params['bn1_b'])
    g2, bb2 = row(params['bn2_g']), row(params['bn2_b'])
    g3, bb3 = row(params['bn3_g']), row(params['bn3_b'])

    wf1, bf1 = params['Wf1'], row(params['bf1'])
    wf2, bf2 = params['Wf2'], row(params['bf2'])
    wf3, bf3 = params['Wf3'], row(params['bf3'])
    w1a = wf1[:256]
    w1b = jnp.pad(wf1[256:], ((0, 128 - gd), (0, 0)))
    w2p = jnp.pad(wf2, ((0, 0), (0, 128 - wf2.shape[1])))
    b2p = jnp.pad(bf2, ((0, 0), (0, 128 - bf2.shape[1])))
    w3p = jnp.pad(wf3, ((0, 128 - wf3.shape[0]), (0, 128 - wf3.shape[1])))
    b3p = jnp.pad(bf3, ((0, 0), (0, 128 - bf3.shape[1])))
    gxp = jnp.pad(global_x, ((0, 0), (0, 128 - gd)))

    p1 = _agg128(xp, srcp, dstp, zeros, n_pad, cpt)
    h1 = _layer1_tc(xp, p1, w11, row(b11), w12, row(b12), g1, bb1, n_pad)

    p2 = _agg128(h1, srcp, dstp, zeros, n_pad, cpt)
    h2 = _layer2_tc(h1, p2, w21, row(b21), w22, row(b22), g2, bb2, n_pad)

    pa = _agg128(h2[0], srcp, dstp, zeros, n_pad, cpt)
    pb = _agg128(h2[1], srcp, dstp, zeros, n_pad, cpt)
    h3 = _layer3_tc(h2, pa, pb, w31, row(b31), w32, row(b32), g3, bb3, n_pad)

    sums, cnts = _pool_tc(batch_r, h3, n_pad, g_graphs)
    out = _head_tc(sums, cnts, gxp, w1a, w1b, row(bf1), w2p, b2p, w3p, b3p,
                   g_graphs)
    return out[:, :1]

# --- scband reference (transcript-rebuilt; emitter-appended) ---
"""Pipeline reference for scband-model-gcn-27702539059447 (READ-ONLY COPY).

The authoritative reference and input builder live on the scoring server;
editing this copy changes nothing except your own understanding.
"""

import jax, jax.numpy as jnp
import numpy as np

N = 10000
E = 320000
D = 128
G = 64
GD = 16

def _lin(key, fan_in, fan_out):
    kw, kb = jax.random.split(key)
    s = 1.0 / np.sqrt(fan_in)
    W = jax.random.uniform(kw, (fan_in, fan_out), dtype=jnp.float32, minval=-s, maxval=s)
    b = jax.random.uniform(kb, (fan_out,), dtype=jnp.float32, minval=-s, maxval=s)
    return W, b

def setup_inputs(seed: int = 0) -> dict:
    key = jax.random.key(seed)
    ks = jax.random.split(key, 16)
    x = jax.random.normal(ks[0], (N, D), dtype=jnp.float32)
    edge_index = jax.random.randint(ks[1], (2, E), 0, N, dtype=jnp.int32)
    batch = jnp.sort(jax.random.randint(ks[2], (N,), 0, G, dtype=jnp.int32))
    global_x = jax.random.normal(ks[3], (G, GD), dtype=jnp.float32)
    W11, b11 = _lin(ks[4], D, D)
    W12, b12 = _lin(ks[5], D, D)
    W21, b21 = _lin(ks[6], D, 2 * D)
    W22, b22 = _lin(ks[7], 2 * D, 2 * D)
    W31, b31 = _lin(ks[8], 2 * D, 2 * D)
    W32, b32 = _lin(ks[9], 2 * D, 2 * D)
    Wf1, bf1 = _lin(ks[10], 2 * D + GD, 128)
    Wf2, bf2 = _lin(ks[11], 128, 64)
    Wf3, bf3 = _lin(ks[12], 64, 1)
    params = {
        'mlp1': (W11, b11, W12, b12),
        'mlp2': (W21, b21, W22, b22),
        'mlp3': (W31, b31, W32, b32),
        'bn1_g': jnp.ones((D,), jnp.float32), 'bn1_b': jnp.zeros((D,), jnp.float32),
        'bn2_g': jnp.ones((2 * D,), jnp.float32), 'bn2_b': jnp.zeros((2 * D,), jnp.float32),
        'bn3_g': jnp.ones((2 * D,), jnp.float32), 'bn3_b': jnp.zeros((2 * D,), jnp.float32),
        'Wf1': Wf1, 'bf1': bf1, 'Wf2': Wf2, 'bf2': bf2, 'Wf3': Wf3, 'bf3': bf3,
    }
    return {'x': x, 'edge_index': edge_index, 'batch': batch, 'global_x': global_x, 'params': params}

def _gin(h, src, dst, p):
    # GINConv with eps=0: mlp(x + sum_{j->i} x_j)
    W1, b1, W2, b2 = p
    agg = jnp.zeros((h.shape[0], h.shape[1]), h.dtype).at[dst].add(h[src])
    m = h + agg
    m = jnp.maximum(m @ W1 + b1, 0.0) @ W2 + b2
    return m

def _bn_eval(h, g, b):
    # BatchNorm1d in eval mode with running_mean=0, running_var=1
    return (h / jnp.sqrt(1.0 + 1e-5)) * g + b

def reference(x, edge_index, batch, global_x, params):
    src = edge_index[0]
    dst = edge_index[1]
    h = _gin(x, src, dst, params['mlp1'])
    h = _bn_eval(jnp.maximum(h, 0.0), params['bn1_g'], params['bn1_b'])
    h = _gin(h, src, dst, params['mlp2'])
    h = _bn_eval(jnp.maximum(h, 0.0), params['bn2_g'], params['bn2_b'])
    h = _gin(h, src, dst, params['mlp3'])
    h = _bn_eval(jnp.maximum(h, 0.0), params['bn3_g'], params['bn3_b'])
    # global mean pool (dropout is identity in eval)
    sums = jax.ops.segment_sum(h, batch, num_segments=G)
    cnts = jax.ops.segment_sum(jnp.ones((h.shape[0], 1), h.dtype), batch, num_segments=G)
    pooled = sums / jnp.maximum(cnts, 1.0)
    z = jnp.concatenate([pooled, global_x], axis=1)
    z = jnp.maximum(z @ params['Wf1'] + params['bf1'], 0.0)
    z = jnp.maximum(z @ params['Wf2'] + params['bf2'], 0.0)
    return z @ params['Wf3'] + params['bf3']

if __name__ == "__main__":
    import jax
    _d = setup_inputs()
    print(jax.jit(kernel)(*tuple(_d.values())))

</pallas_src>

<mosaic_0001>
#map = affine_map<(d0, d1) -> (0, 0)>
#map1 = affine_map<(d0, d1) -> (0)>
#map2 = affine_map<(d0, d1) -> (0, 0, 0)>
module attributes {stable_mosaic.version = 14 : i64} {
  func.func @k(%arg0: i32, %arg1: i32, %arg2: memref<10240x128xf32, #tpu.memory_space<hbm>>, %arg3: memref<323584xi32, #tpu.memory_space<hbm>>, %arg4: memref<323584xi32, #tpu.memory_space<hbm>>, %arg5: memref<10240x128xf32, #tpu.memory_space<hbm>>, %arg6: memref<2x10240x128xf32, #tpu.memory_space<hbm>>, %arg7: memref<128xi32, #tpu.memory_space<vmem>>, %arg8: memref<128xi32, #tpu.memory_space<vmem>>, %arg9: memref<128x128xf32, #tpu.memory_space<vmem>>, %arg10: memref<10240x128xf32, #tpu.memory_space<vmem_shared>>, %arg11: memref<!tpu.dma_semaphore, #tpu.memory_space<semaphore_mem>>) attributes {dimension_semantics = [#tpu.dimension_semantics<core_parallel>, #tpu.dimension_semantics<subcore_parallel>], iteration_bounds = array<i64: 2, 16>, scalar_prefetch = 0 : i64, scratch_operands = 5 : i64, tpu.core_type = #tpu.core_type<sc_vector_subcore>, window_params = [{transform_indices = #map}, {transform_indices = #map1}, {transform_indices = #map1}, {transform_indices = #map}, {transform_indices = #map2}]} {
    %mul3A = arith.constant 640 : i32
    %mul3A_0 = arith.muli %arg1, %mul3A : i32
    %mul3A_1 = arith.constant 640 : i32
    %mul3A_2 = arith.muli %arg1, %mul3A_1 : i32
    "tpu.region"() ({
      %run_scoped3A = tpu.sem_alloc : memref<!tpu.dma_semaphore, #tpu.memory_space<semaphore_mem>>
      %dma_start3A = arith.constant 0 : i32
      %dma_start3A_23 = tpu.memref_slice %arg10[%mul3A_2, %dma_start3A] : memref<10240x128xf32, #tpu.memory_space<vmem_shared>> -> memref<640x128xf32, #tpu.memory_space<vmem_shared>>
      %dma_start3A_24 = arith.constant 0 : i32
      %dma_start3A_25 = tpu.memref_slice %arg5[%mul3A_0, %dma_start3A_24] : memref<10240x128xf32, #tpu.memory_space<hbm>> -> memref<640x128xf32, #tpu.memory_space<hbm>>
      tpu.enqueue_dma source(%dma_start3A_25 : memref<640x128xf32, #tpu.memory_space<hbm>>) target(%dma_start3A_23 : memref<640x128xf32, #tpu.memory_space<vmem_shared>>) target_semaphore(%run_scoped3A : memref<!tpu.dma_semaphore, #tpu.memory_space<semaphore_mem>>)
      %dma_wait3A = arith.constant 0 : i32
      %dma_wait3A_26 = tpu.memref_slice %arg10[%mul3A_2, %dma_wait3A] : memref<10240x128xf32, #tpu.memory_space<vmem_shared>> -> memref<640x128xf32, #tpu.memory_space<vmem_shared>>
      %dma_wait3A_27 = arith.constant 0 : i32
      %dma_wait3A_28 = tpu.memref_slice %arg5[%mul3A_0, %dma_wait3A_27] : memref<10240x128xf32, #tpu.memory_space<hbm>> -> memref<640x128xf32, #tpu.memory_space<hbm>>
      tpu.wait_dma2 semaphore(%run_scoped3A : memref<!tpu.dma_semaphore, #tpu.memory_space<semaphore_mem>>) src(%dma_wait3A_28 : memref<640x128xf32, #tpu.memory_space<hbm>>) dst(%dma_wait3A_26 : memref<640x128xf32, #tpu.memory_space<vmem_shared>>)
      tpu.yield
    }) : () -> ()
    %barrier3A = arith.constant 0 : index
    tpu.barrier barrier_id(%barrier3A)
    %mul3A_3 = arith.constant 158 : i32
    %mul3A_4 = arith.muli %arg1, %mul3A_3 : i32
    %mul3A_5 = arith.constant 103 : i32
    %mul3A_6 = arith.muli %arg0, %mul3A_5 : i32
    %add3A = arith.addi %mul3A_4, %mul3A_6 : i32
    %eq3A = arith.constant 0 : i32
    %eq3A_7 = arith.cmpi eq, %arg0, %eq3A : i32
    %jit3A = arith.constant 103 : i32
    %jit3A_8 = arith.constant 55 : i32
    %select_n3A = arith.select %eq3A_7, %jit3A, %jit3A_8 : i32
    %while3A = arith.constant 0 : i32
    %while3A_9 = arith.constant 0 : i32
    %while3A_10 = arith.subi %select_n3A, %while3A_9 : i32
    %while3A_11 = arith.addi %while3A_9, %while3A_10 : i32
    %while3A_12 = arith.constant 1 : i32
    %while3A_13 = arith.divsi %while3A_10, %while3A_12 : i32
    %while3A_14 = arith.muli %while3A_13, %while3A_12 : i32
    %while3A_15 = arith.addi %while3A_9, %while3A_14 : i32
    %while3A_16 = arith.constant 1 : i32
    scf.for %while3A_23 = %while3A_9 to %while3A_15 step %while3A_16  : i32 {
      %add3A_24 = arith.addi %add3A, %while3A_23 : i32
      %mul3A_25 = arith.constant 128 : i32
      %mul3A_26 = arith.muli %add3A_24, %mul3A_25 : i32
      %multiple_of3A = tpu.assume_multiple %mul3A_26, 128 : i32
      "tpu.region"() ({
        %run_scoped3A = tpu.sem_alloc : memref<!tpu.dma_semaphore, #tpu.memory_space<semaphore_mem>>
        %dma_start3A_31 = tpu.memref_slice %arg3[%multiple_of3A] : memref<323584xi32, #tpu.memory_space<hbm>> -> memref<128xi32, #tpu.memory_space<hbm>>
        %dma_start3A_32 = tpu.memref_slice %arg3[%multiple_of3A] : memref<323584xi32, #tpu.memory_space<hbm>> -> memref<128xi32, #tpu.memory_space<hbm>>
        tpu.enqueue_dma source(%dma_start3A_32 : memref<128xi32, #tpu.memory_space<hbm>>) target(%arg7 : memref<128xi32, #tpu.memory_space<vmem>>) target_semaphore(%run_scoped3A : memref<!tpu.dma_semaphore, #tpu.memory_space<semaphore_mem>>)
        %dma_wait3A_33 = tpu.memref_slice %arg3[%multiple_of3A] : memref<323584xi32, #tpu.memory_space<hbm>> -> memref<128xi32, #tpu.memory_space<hbm>>
        %dma_wait3A_34 = tpu.memref_slice %arg3[%multiple_of3A] : memref<323584xi32, #tpu.memory_space<hbm>> -> memref<128xi32, #tpu.memory_space<hbm>>
        tpu.wait_dma2 semaphore(%run_scoped3A : memref<!tpu.dma_semaphore, #tpu.memory_space<semaphore_mem>>) src(%dma_wait3A_34 : memref<128xi32, #tpu.memory_space<hbm>>) dst(%arg7 : memref<128xi32, #tpu.memory_space<vmem>>)
        tpu.yield
      }) : () -> ()
      "tpu.region"() ({
        %run_scoped3A = tpu.sem_alloc : memref<!tpu.dma_semaphore, #tpu.memory_space<semaphore_mem>>
        %dma_start3A_31 = tpu.memref_slice %arg4[%multiple_of3A] : memref<323584xi32, #tpu.memory_space<hbm>> -> memref<128xi32, #tpu.memory_space<hbm>>
        %dma_start3A_32 = tpu.memref_slice %arg4[%multiple_of3A] : memref<323584xi32, #tpu.memory_space<hbm>> -> memref<128xi32, #tpu.memory_space<hbm>>
        tpu.enqueue_dma source(%dma_start3A_32 : memref<128xi32, #tpu.memory_space<hbm>>) target(%arg8 : memref<128xi32, #tpu.memory_space<vmem>>) target_semaphore(%run_scoped3A : memref<!tpu.dma_semaphore, #tpu.memory_space<semaphore_mem>>)
        %dma_wait3A_33 = tpu.memref_slice %arg4[%multiple_of3A] : memref<323584xi32, #tpu.memory_space<hbm>> -> memref<128xi32, #tpu.memory_space<hbm>>
        %dma_wait3A_34 = tpu.memref_slice %arg4[%multiple_of3A] : memref<323584xi32, #tpu.memory_space<hbm>> -> memref<128xi32, #tpu.memory_space<hbm>>
        tpu.wait_dma2 semaphore(%run_scoped3A : memref<!tpu.dma_semaphore, #tpu.memory_space<semaphore_mem>>) src(%dma_wait3A_34 : memref<128xi32, #tpu.memory_space<hbm>>) dst(%arg8 : memref<128xi32, #tpu.memory_space<vmem>>)
        tpu.yield
      }) : () -> ()
      %dma_start3A = arith.constant 0 : i32
      %dma_start3A_27 = arith.constant 0 : i32
      %dma_start3A_28 = tpu.memref_slice %arg2[%dma_start3A, %dma_start3A_27] : memref<10240x128xf32, #tpu.memory_space<hbm>> -> memref<10240x128xf32, #tpu.memory_space<hbm>>
      tpu.enqueue_indirect_dma source(%dma_start3A_28 : memref<10240x128xf32, #tpu.memory_space<hbm>>) target(%arg9 : memref<128x128xf32, #tpu.memory_space<vmem>>) offsets(%arg7 : memref<128xi32, #tpu.memory_space<vmem>>) semaphore(%arg11 : memref<!tpu.dma_semaphore, #tpu.memory_space<semaphore_mem>>)
      %dma_wait3A = arith.constant 0 : i32
      %dma_wait3A_29 = arith.constant 0 : i32
      %dma_wait3A_30 = tpu.memref_slice %arg2[%dma_wait3A, %dma_wait3A_29] : memref<10240x128xf32, #tpu.memory_space<hbm>> -> memref<10240x128xf32, #tpu.memory_space<hbm>>
      tpu.wait_indirect_dma semaphore(%arg11 : memref<!tpu.dma_semaphore, #tpu.memory_space<semaphore_mem>>) src(%dma_wait3A_30 : memref<10240x128xf32, #tpu.memory_space<hbm>>) dst(%arg9 : memref<128x128xf32, #tpu.memory_space<vmem>>)
      "tpu.region"() ({
        %run_scoped3A = tpu.sem_alloc : memref<!tpu.dma_semaphore, #tpu.memory_space<semaphore_mem>>
        %dma_start3A_31 = arith.constant 0 : i32
        %dma_start3A_32 = arith.constant 0 : i32
        %dma_start3A_33 = tpu.memref_slice %arg10[%dma_start3A_31, %dma_start3A_32] : memref<10240x128xf32, #tpu.memory_space<vmem_shared>> -> memref<10240x128xf32, #tpu.memory_space<vmem_shared>>
        tpu.enqueue_indirect_dma source(%arg9 : memref<128x128xf32, #tpu.memory_space<vmem>>) target(%dma_start3A_33 : memref<10240x128xf32, #tpu.memory_space<vmem_shared>>) offsets(%arg8 : memref<128xi32, #tpu.memory_space<vmem>>) semaphore(%run_scoped3A : memref<!tpu.dma_semaphore, #tpu.memory_space<semaphore_mem>>) {add = true}
        %dma_wait3A_34 = arith.constant 0 : i32
        %dma_wait3A_35 = arith.constant 0 : i32
        %dma_wait3A_36 = tpu.memref_slice %arg10[%dma_wait3A_34, %dma_wait3A_35] : memref<10240x128xf32, #tpu.memory_space<vmem_shared>> -> memref<10240x128xf32, #tpu.memory_space<vmem_shared>>
        tpu.wait_indirect_dma semaphore(%run_scoped3A : memref<!tpu.dma_semaphore, #tpu.memory_space<semaphore_mem>>) src(%arg9 : memref<128x128xf32, #tpu.memory_space<vmem>>) dst(%dma_wait3A_36 : memref<10240x128xf32, #tpu.memory_space<vmem_shared>>)
        tpu.yield
      }) : () -> ()
    }
    %while3A_17 = arith.constant 1 : i32
    scf.for %while3A_23 = %while3A_15 to %while3A_11 step %while3A_17  : i32 {
      %add3A_24 = arith.addi %add3A, %while3A_23 : i32
      %mul3A_25 = arith.constant 128 : i32
      %mul3A_26 = arith.muli %add3A_24, %mul3A_25 : i32
      %multiple_of3A = tpu.assume_multiple %mul3A_26, 128 : i32
      "tpu.region"() ({
        %run_scoped3A = tpu.sem_alloc : memref<!tpu.dma_semaphore, #tpu.memory_space<semaphore_mem>>
        %dma_start3A_31 = tpu.memref_slice %arg3[%multiple_of3A] : memref<323584xi32, #tpu.memory_space<hbm>> -> memref<128xi32, #tpu.memory_space<hbm>>
        %dma_start3A_32 = tpu.memref_slice %arg3[%multiple_of3A] : memref<323584xi32, #tpu.memory_space<hbm>> -> memref<128xi32, #tpu.memory_space<hbm>>
        tpu.enqueue_dma source(%dma_start3A_32 : memref<128xi32, #tpu.memory_space<hbm>>) target(%arg7 : memref<128xi32, #tpu.memory_space<vmem>>) target_semaphore(%run_scoped3A : memref<!tpu.dma_semaphore, #tpu.memory_space<semaphore_mem>>)
        %dma_wait3A_33 = tpu.memref_slice %arg3[%multiple_of3A] : memref<323584xi32, #tpu.memory_space<hbm>> -> memref<128xi32, #tpu.memory_space<hbm>>
        %dma_wait3A_34 = tpu.memref_slice %arg3[%multiple_of3A] : memref<323584xi32, #tpu.memory_space<hbm>> -> memref<128xi32, #tpu.memory_space<hbm>>
        tpu.wait_dma2 semaphore(%run_scoped3A : memref<!tpu.dma_semaphore, #tpu.memory_space<semaphore_mem>>) src(%dma_wait3A_34 : memref<128xi32, #tpu.memory_space<hbm>>) dst(%arg7 : memref<128xi32, #tpu.memory_space<vmem>>)
        tpu.yield
      }) : () -> ()
      "tpu.region"() ({
        %run_scoped3A = tpu.sem_alloc : memref<!tpu.dma_semaphore, #tpu.memory_space<semaphore_mem>>
        %dma_start3A_31 = tpu.memref_slice %arg4[%multiple_of3A] : memref<323584xi32, #tpu.memory_space<hbm>> -> memref<128xi32, #tpu.memory_space<hbm>>
        %dma_start3A_32 = tpu.memref_slice %arg4[%multiple_of3A] : memref<323584xi32, #tpu.memory_space<hbm>> -> memref<128xi32, #tpu.memory_space<hbm>>
        tpu.enqueue_dma source(%dma_start3A_32 : memref<128xi32, #tpu.memory_space<hbm>>) target(%arg8 : memref<128xi32, #tpu.memory_space<vmem>>) target_semaphore(%run_scoped3A : memref<!tpu.dma_semaphore, #tpu.memory_space<semaphore_mem>>)
        %dma_wait3A_33 = tpu.memref_slice %arg4[%multiple_of3A] : memref<323584xi32, #tpu.memory_space<hbm>> -> memref<128xi32, #tpu.memory_space<hbm>>
        %dma_wait3A_34 = tpu.memref_slice %arg4[%multiple_of3A] : memref<323584xi32, #tpu.memory_space<hbm>> -> memref<128xi32, #tpu.memory_space<hbm>>
        tpu.wait_dma2 semaphore(%run_scoped3A : memref<!tpu.dma_semaphore, #tpu.memory_space<semaphore_mem>>) src(%dma_wait3A_34 : memref<128xi32, #tpu.memory_space<hbm>>) dst(%arg8 : memref<128xi32, #tpu.memory_space<vmem>>)
        tpu.yield
      }) : () -> ()
      %dma_start3A = arith.constant 0 : i32
      %dma_start3A_27 = arith.constant 0 : i32
      %dma_start3A_28 = tpu.memref_slice %arg2[%dma_start3A, %dma_start3A_27] : memref<10240x128xf32, #tpu.memory_space<hbm>> -> memref<10240x128xf32, #tpu.memory_space<hbm>>
      tpu.enqueue_indirect_dma source(%dma_start3A_28 : memref<10240x128xf32, #tpu.memory_space<hbm>>) target(%arg9 : memref<128x128xf32, #tpu.memory_space<vmem>>) offsets(%arg7 : memref<128xi32, #tpu.memory_space<vmem>>) semaphore(%arg11 : memref<!tpu.dma_semaphore, #tpu.memory_space<semaphore_mem>>)
      %dma_wait3A = arith.constant 0 : i32
      %dma_wait3A_29 = arith.constant 0 : i32
      %dma_wait3A_30 = tpu.memref_slice %arg2[%dma_wait3A, %dma_wait3A_29] : memref<10240x128xf32, #tpu.memory_space<hbm>> -> memref<10240x128xf32, #tpu.memory_space<hbm>>
      tpu.wait_indirect_dma semaphore(%arg11 : memref<!tpu.dma_semaphore, #tpu.memory_space<semaphore_mem>>) src(%dma_wait3A_30 : memref<10240x128xf32, #tpu.memory_space<hbm>>) dst(%arg9 : memref<128x128xf32, #tpu.memory_space<vmem>>)
      "tpu.region"() ({
        %run_scoped3A = tpu.sem_alloc : memref<!tpu.dma_semaphore, #tpu.memory_space<semaphore_mem>>
        %dma_start3A_31 = arith.constant 0 : i32
        %dma_start3A_32 = arith.constant 0 : i32
        %dma_start3A_33 = tpu.memref_slice %arg10[%dma_start3A_31, %dma_start3A_32] : memref<10240x128xf32, #tpu.memory_space<vmem_shared>> -> memref<10240x128xf32, #tpu.memory_space<vmem_shared>>
        tpu.enqueue_indirect_dma source(%arg9 : memref<128x128xf32, #tpu.memory_space<vmem>>) target(%dma_start3A_33 : memref<10240x128xf32, #tpu.memory_space<vmem_shared>>) offsets(%arg8 : memref<128xi32, #tpu.memory_space<vmem>>) semaphore(%run_scoped3A : memref<!tpu.dma_semaphore, #tpu.memory_space<semaphore_mem>>) {add = true}
        %dma_wait3A_34 = arith.constant 0 : i32
        %dma_wait3A_35 = arith.constant 0 : i32
        %dma_wait3A_36 = tpu.memref_slice %arg10[%dma_wait3A_34, %dma_wait3A_35] : memref<10240x128xf32, #tpu.memory_space<vmem_shared>> -> memref<10240x128xf32, #tpu.memory_space<vmem_shared>>
        tpu.wait_indirect_dma semaphore(%run_scoped3A : memref<!tpu.dma_semaphore, #tpu.memory_space<semaphore_mem>>) src(%arg9 : memref<128x128xf32, #tpu.memory_space<vmem>>) dst(%dma_wait3A_36 : memref<10240x128xf32, #tpu.memory_space<vmem_shared>>)
        tpu.yield
      }) : () -> ()
    }
    %barrier3A_18 = arith.constant 0 : index
    tpu.barrier barrier_id(%barrier3A_18)
    %mul3A_19 = arith.constant 640 : i32
    %mul3A_20 = arith.muli %arg1, %mul3A_19 : i32
    %mul3A_21 = arith.constant 640 : i32
    %mul3A_22 = arith.muli %arg1, %mul3A_21 : i32
    "tpu.region"() ({
      %run_scoped3A = tpu.sem_alloc : memref<!tpu.dma_semaphore, #tpu.memory_space<semaphore_mem>>
      %dma_start3A = arith.constant 0 : i32
      %dma_start3A_23 = tpu.memref_slice %arg6[%arg0, %mul3A_22, %dma_start3A] : memref<2x10240x128xf32, #tpu.memory_space<hbm>> -> memref<1x640x128xf32, #tpu.memory_space<hbm>>
      %dma_start3A_24 = tpu.memref_squeeze %dma_start3A_23 : memref<1x640x128xf32, #tpu.memory_space<hbm>> -> memref<640x128xf32, #tpu.memory_space<hbm>>
      %dma_start3A_25 = arith.constant 0 : i32
      %dma_start3A_26 = tpu.memref_slice %arg10[%mul3A_20, %dma_start3A_25] : memref<10240x128xf32, #tpu.memory_space<vmem_shared>> -> memref<640x128xf32, #tpu.memory_space<vmem_shared>>
      tpu.enqueue_dma source(%dma_start3A_26 : memref<640x128xf32, #tpu.memory_space<vmem_shared>>) target(%dma_start3A_24 : memref<640x128xf32, #tpu.memory_space<hbm>>) target_semaphore(%run_scoped3A : memref<!tpu.dma_semaphore, #tpu.memory_space<semaphore_mem>>)
      %dma_wait3A = arith.constant 0 : i32
      %dma_wait3A_27 = tpu.memref_slice %arg6[%arg0, %mul3A_22, %dma_wait3A] : memref<2x10240x128xf32, #tpu.memory_space<hbm>> -> memref<1x640x128xf32, #tpu.memory_space<hbm>>
      %dma_wait3A_28 = tpu.memref_squeeze %dma_wait3A_27 : memref<1x640x128xf32, #tpu.memory_space<hbm>> -> memref<640x128xf32, #tpu.memory_space<hbm>>
      %dma_wait3A_29 = arith.constant 0 : i32
      %dma_wait3A_30 = tpu.memref_slice %arg10[%mul3A_20, %dma_wait3A_29] : memref<10240x128xf32, #tpu.memory_space<vmem_shared>> -> memref<640x128xf32, #tpu.memory_space<vmem_shared>>
      tpu.wait_dma2 semaphore(%run_scoped3A : memref<!tpu.dma_semaphore, #tpu.memory_space<semaphore_mem>>) src(%dma_wait3A_30 : memref<640x128xf32, #tpu.memory_space<vmem_shared>>) dst(%dma_wait3A_28 : memref<640x128xf32, #tpu.memory_space<hbm>>)
      tpu.yield
    }) : () -> ()
    return
  }
}

#map = affine_map<(d0, d1) -> (0, 0)>
#map1 = affine_map<(d0, d1) -> (0)>
#map2 = affine_map<(d0, d1) -> (0, 0, 0)>
module attributes {stable_mosaic.version = 14 : i64} {
  func.func @k(%arg0: i32, %arg1: i32, %arg2: memref<10240x128xf32, #tpu.memory_space<hbm>>, %arg3: memref<323584xi32, #tpu.memory_space<hbm>>, %arg4: memref<323584xi32, #tpu.memory_space<hbm>>, %arg5: memref<10240x128xf32, #tpu.memory_space<hbm>>, %arg6: memref<2x10240x128xf32, #tpu.memory_space<hbm>>, %arg7: memref<128xi32, #tpu.memory_space<vmem>>, %arg8: memref<128xi32, #tpu.memory_space<vmem>>, %arg9: memref<128x128xf32, #tpu.memory_space<vmem>>, %arg10: memref<10240x128xf32, #tpu.memory_space<vmem_shared>>, %arg11: memref<!tpu.dma_semaphore, #tpu.memory_space<semaphore_mem>>) attributes {dimension_semantics = [#tpu.dimension_semantics<core_parallel>, #tpu.dimension_semantics<subcore_parallel>], iteration_bounds = array<i64: 2, 16>, scalar_prefetch = 0 : i64, scratch_operands = 5 : i64, tpu.core_type = #tpu.core_type<sc_vector_subcore>, window_params = [{transform_indices = #map}, {transform_indices = #map1}, {transform_indices = #map1}, {transform_indices = #map}, {transform_indices = #map2}]} {
    %mul3A = arith.constant 640 : i32
    %mul3A_0 = arith.muli %arg1, %mul3A : i32
    %mul3A_1 = arith.constant 640 : i32
    %mul3A_2 = arith.muli %arg1, %mul3A_1 : i32
    "tpu.region"() ({
      %run_scoped3A = tpu.sem_alloc : memref<!tpu.dma_semaphore, #tpu.memory_space<semaphore_mem>>
      %dma_start3A = arith.constant 0 : i32
      %dma_start3A_23 = tpu.memref_slice %arg10[%mul3A_2, %dma_start3A] : memref<10240x128xf32, #tpu.memory_space<vmem_shared>> -> memref<640x128xf32, #tpu.memory_space<vmem_shared>>
      %dma_start3A_24 = arith.constant 0 : i32
      %dma_start3A_25 = tpu.memref_slice %arg5[%mul3A_0, %dma_start3A_24] : memref<10240x128xf32, #tpu.memory_space<hbm>> -> memref<640x128xf32, #tpu.memory_space<hbm>>
      tpu.enqueue_dma source(%dma_start3A_25 : memref<640x128xf32, #tpu.memory_space<hbm>>) target(%dma_start3A_23 : memref<640x128xf32, #tpu.memory_space<vmem_shared>>) target_semaphore(%run_scoped3A : memref<!tpu.dma_semaphore, #tpu.memory_space<semaphore_mem>>)
      %dma_wait3A = arith.constant 0 : i32
      %dma_wait3A_26 = tpu.memref_slice %arg10[%mul3A_2, %dma_wait3A] : memref<10240x128xf32, #tpu.memory_space<vmem_shared>> -> memref<640x128xf32, #tpu.memory_space<vmem_shared>>
      %dma_wait3A_27 = arith.constant 0 : i32
      %dma_wait3A_28 = tpu.memref_slice %arg5[%mul3A_0, %dma_wait3A_27] : memref<10240x128xf32, #tpu.memory_space<hbm>> -> memref<640x128xf32, #tpu.memory_space<hbm>>
      tpu.wait_dma2 semaphore(%run_scoped3A : memref<!tpu.dma_semaphore, #tpu.memory_space<semaphore_mem>>) src(%dma_wait3A_28 : memref<640x128xf32, #tpu.memory_space<hbm>>) dst(%dma_wait3A_26 : memref<640x128xf32, #tpu.memory_space<vmem_shared>>)
      tpu.yield
    }) : () -> ()
    %barrier3A = arith.constant 0 : index
    tpu.barrier barrier_id(%barrier3A)
    %mul3A_3 = arith.constant 158 : i32
    %mul3A_4 = arith.muli %arg1, %mul3A_3 : i32
    %mul3A_5 = arith.constant 103 : i32
    %mul3A_6 = arith.muli %arg0, %mul3A_5 : i32
    %add3A = arith.addi %mul3A_4, %mul3A_6 : i32
    %eq3A = arith.constant 0 : i32
    %eq3A_7 = arith.cmpi eq, %arg0, %eq3A : i32
    %jit3A = arith.constant 103 : i32
    %jit3A_8 = arith.constant 55 : i32
    %select_n3A = arith.select %eq3A_7, %jit3A, %jit3A_8 : i32
    %while3A = arith.constant 0 : i32
    %while3A_9 = arith.constant 0 : i32
    %while3A_10 = arith.subi %select_n3A, %while3A_9 : i32
    %while3A_11 = arith.addi %while3A_9, %while3A_10 : i32
    %while3A_12 = arith.constant 1 : i32
    %while3A_13 = arith.divsi %while3A_10, %while3A_12 : i32
    %while3A_14 = arith.muli %while3A_13, %while3A_12 : i32
    %while3A_15 = arith.addi %while3A_9, %while3A_14 : i32
    %while3A_16 = arith.constant 1 : i32
    scf.for %while3A_23 = %while3A_9 to %while3A_15 step %while3A_16  : i32 {
      %add3A_24 = arith.addi %add3A, %while3A_23 : i32
      %mul3A_25 = arith.constant 128 : i32
      %mul3A_26 = arith.muli %add3A_24, %mul3A_25 : i32
      %multiple_of3A = tpu.assume_multiple %mul3A_26, 128 : i32
      "tpu.region"() ({
        %run_scoped3A = tpu.sem_alloc : memref<!tpu.dma_semaphore, #tpu.memory_space<semaphore_mem>>
        %dma_start3A_31 = tpu.memref_slice %arg3[%multiple_of3A] : memref<323584xi32, #tpu.memory_space<hbm>> -> memref<128xi32, #tpu.memory_space<hbm>>
        %dma_start3A_32 = tpu.memref_slice %arg3[%multiple_of3A] : memref<323584xi32, #tpu.memory_space<hbm>> -> memref<128xi32, #tpu.memory_space<hbm>>
        tpu.enqueue_dma source(%dma_start3A_32 : memref<128xi32, #tpu.memory_space<hbm>>) target(%arg7 : memref<128xi32, #tpu.memory_space<vmem>>) target_semaphore(%run_scoped3A : memref<!tpu.dma_semaphore, #tpu.memory_space<semaphore_mem>>)
        %dma_wait3A_33 = tpu.memref_slice %arg3[%multiple_of3A] : memref<323584xi32, #tpu.memory_space<hbm>> -> memref<128xi32, #tpu.memory_space<hbm>>
        %dma_wait3A_34 = tpu.memref_slice %arg3[%multiple_of3A] : memref<323584xi32, #tpu.memory_space<hbm>> -> memref<128xi32, #tpu.memory_space<hbm>>
        tpu.wait_dma2 semaphore(%run_scoped3A : memref<!tpu.dma_semaphore, #tpu.memory_space<semaphore_mem>>) src(%dma_wait3A_34 : memref<128xi32, #tpu.memory_space<hbm>>) dst(%arg7 : memref<128xi32, #tpu.memory_space<vmem>>)
        tpu.yield
      }) : () -> ()
      "tpu.region"() ({
        %run_scoped3A = tpu.sem_alloc : memref<!tpu.dma_semaphore, #tpu.memory_space<semaphore_mem>>
        %dma_start3A_31 = tpu.memref_slice %arg4[%multiple_of3A] : memref<323584xi32, #tpu.memory_space<hbm>> -> memref<128xi32, #tpu.memory_space<hbm>>
        %dma_start3A_32 = tpu.memref_slice %arg4[%multiple_of3A] : memref<323584xi32, #tpu.memory_space<hbm>> -> memref<128xi32, #tpu.memory_space<hbm>>
        tpu.enqueue_dma source(%dma_start3A_32 : memref<128xi32, #tpu.memory_space<hbm>>) target(%arg8 : memref<128xi32, #tpu.memory_space<vmem>>) target_semaphore(%run_scoped3A : memref<!tpu.dma_semaphore, #tpu.memory_space<semaphore_mem>>)
        %dma_wait3A_33 = tpu.memref_slice %arg4[%multiple_of3A] : memref<323584xi32, #tpu.memory_space<hbm>> -> memref<128xi32, #tpu.memory_space<hbm>>
        %dma_wait3A_34 = tpu.memref_slice %arg4[%multiple_of3A] : memref<323584xi32, #tpu.memory_space<hbm>> -> memref<128xi32, #tpu.memory_space<hbm>>
        tpu.wait_dma2 semaphore(%run_scoped3A : memref<!tpu.dma_semaphore, #tpu.memory_space<semaphore_mem>>) src(%dma_wait3A_34 : memref<128xi32, #tpu.memory_space<hbm>>) dst(%arg8 : memref<128xi32, #tpu.memory_space<vmem>>)
        tpu.yield
      }) : () -> ()
      %dma_start3A = arith.constant 0 : i32
      %dma_start3A_27 = arith.constant 0 : i32
      %dma_start3A_28 = tpu.memref_slice %arg2[%dma_start3A, %dma_start3A_27] : memref<10240x128xf32, #tpu.memory_space<hbm>> -> memref<10240x128xf32, #tpu.memory_space<hbm>>
      tpu.enqueue_indirect_dma source(%dma_start3A_28 : memref<10240x128xf32, #tpu.memory_space<hbm>>) target(%arg9 : memref<128x128xf32, #tpu.memory_space<vmem>>) offsets(%arg7 : memref<128xi32, #tpu.memory_space<vmem>>) semaphore(%arg11 : memref<!tpu.dma_semaphore, #tpu.memory_space<semaphore_mem>>)
      %dma_wait3A = arith.constant 0 : i32
      %dma_wait3A_29 = arith.constant 0 : i32
      %dma_wait3A_30 = tpu.memref_slice %arg2[%dma_wait3A, %dma_wait3A_29] : memref<10240x128xf32, #tpu.memory_space<hbm>> -> memref<10240x128xf32, #tpu.memory_space<hbm>>
      tpu.wait_indirect_dma semaphore(%arg11 : memref<!tpu.dma_semaphore, #tpu.memory_space<semaphore_mem>>) src(%dma_wait3A_30 : memref<10240x128xf32, #tpu.memory_space<hbm>>) dst(%arg9 : memref<128x128xf32, #tpu.memory_space<vmem>>)
      "tpu.region"() ({
        %run_scoped3A = tpu.sem_alloc : memref<!tpu.dma_semaphore, #tpu.memory_space<semaphore_mem>>
        %dma_start3A_31 = arith.constant 0 : i32
        %dma_start3A_32 = arith.constant 0 : i32
        %dma_start3A_33 = tpu.memref_slice %arg10[%dma_start3A_31, %dma_start3A_32] : memref<10240x128xf32, #tpu.memory_space<vmem_shared>> -> memref<10240x128xf32, #tpu.memory_space<vmem_shared>>
        tpu.enqueue_indirect_dma source(%arg9 : memref<128x128xf32, #tpu.memory_space<vmem>>) target(%dma_start3A_33 : memref<10240x128xf32, #tpu.memory_space<vmem_shared>>) offsets(%arg8 : memref<128xi32, #tpu.memory_space<vmem>>) semaphore(%run_scoped3A : memref<!tpu.dma_semaphore, #tpu.memory_space<semaphore_mem>>) {add = true}
        %dma_wait3A_34 = arith.constant 0 : i32
        %dma_wait3A_35 = arith.constant 0 : i32
        %dma_wait3A_36 = tpu.memref_slice %arg10[%dma_wait3A_34, %dma_wait3A_35] : memref<10240x128xf32, #tpu.memory_space<vmem_shared>> -> memref<10240x128xf32, #tpu.memory_space<vmem_shared>>
        tpu.wait_indirect_dma semaphore(%run_scoped3A : memref<!tpu.dma_semaphore, #tpu.memory_space<semaphore_mem>>) src(%arg9 : memref<128x128xf32, #tpu.memory_space<vmem>>) dst(%dma_wait3A_36 : memref<10240x128xf32, #tpu.memory_space<vmem_shared>>)
        tpu.yield
      }) : () -> ()
    }
    %while3A_17 = arith.constant 1 : i32
    scf.for %while3A_23 = %while3A_15 to %while3A_11 step %while3A_17  : i32 {
      %add3A_24 = arith.addi %add3A, %while3A_23 : i32
      %mul3A_25 = arith.constant 128 : i32
      %mul3A_26 = arith.muli %add3A_24, %mul3A_25 : i32
      %multiple_of3A = tpu.assume_multiple %mul3A_26, 128 : i32
      "tpu.region"() ({
        %run_scoped3A = tpu.sem_alloc : memref<!tpu.dma_semaphore, #tpu.memory_space<semaphore_mem>>
        %dma_start3A_31 = tpu.memref_slice %arg3[%multiple_of3A] : memref<323584xi32, #tpu.memory_space<hbm>> -> memref<128xi32, #tpu.memory_space<hbm>>
        %dma_start3A_32 = tpu.memref_slice %arg3[%multiple_of3A] : memref<323584xi32, #tpu.memory_space<hbm>> -> memref<128xi32, #tpu.memory_space<hbm>>
        tpu.enqueue_dma source(%dma_start3A_32 : memref<128xi32, #tpu.memory_space<hbm>>) target(%arg7 : memref<128xi32, #tpu.memory_space<vmem>>) target_semaphore(%run_scoped3A : memref<!tpu.dma_semaphore, #tpu.memory_space<semaphore_mem>>)
        %dma_wait3A_33 = tpu.memref_slice %arg3[%multiple_of3A] : memref<323584xi32, #tpu.memory_space<hbm>> -> memref<128xi32, #tpu.memory_space<hbm>>
        %dma_wait3A_34 = tpu.memref_slice %arg3[%multiple_of3A] : memref<323584xi32, #tpu.memory_space<hbm>> -> memref<128xi32, #tpu.memory_space<hbm>>
        tpu.wait_dma2 semaphore(%run_scoped3A : memref<!tpu.dma_semaphore, #tpu.memory_space<semaphore_mem>>) src(%dma_wait3A_34 : memref<128xi32, #tpu.memory_space<hbm>>) dst(%arg7 : memref<128xi32, #tpu.memory_space<vmem>>)
        tpu.yield
      }) : () -> ()
      "tpu.region"() ({
        %run_scoped3A = tpu.sem_alloc : memref<!tpu.dma_semaphore, #tpu.memory_space<semaphore_mem>>
        %dma_start3A_31 = tpu.memref_slice %arg4[%multiple_of3A] : memref<323584xi32, #tpu.memory_space<hbm>> -> memref<128xi32, #tpu.memory_space<hbm>>
        %dma_start3A_32 = tpu.memref_slice %arg4[%multiple_of3A] : memref<323584xi32, #tpu.memory_space<hbm>> -> memref<128xi32, #tpu.memory_space<hbm>>
        tpu.enqueue_dma source(%dma_start3A_32 : memref<128xi32, #tpu.memory_space<hbm>>) target(%arg8 : memref<128xi32, #tpu.memory_space<vmem>>) target_semaphore(%run_scoped3A : memref<!tpu.dma_semaphore, #tpu.memory_space<semaphore_mem>>)
        %dma_wait3A_33 = tpu.memref_slice %arg4[%multiple_of3A] : memref<323584xi32, #tpu.memory_space<hbm>> -> memref<128xi32, #tpu.memory_space<hbm>>
        %dma_wait3A_34 = tpu.memref_slice %arg4[%multiple_of3A] : memref<323584xi32, #tpu.memory_space<hbm>> -> memref<128xi32, #tpu.memory_space<hbm>>
        tpu.wait_dma2 semaphore(%run_scoped3A : memref<!tpu.dma_semaphore, #tpu.memory_space<semaphore_mem>>) src(%dma_wait3A_34 : memref<128xi32, #tpu.memory_space<hbm>>) dst(%arg8 : memref<128xi32, #tpu.memory_space<vmem>>)
        tpu.yield
      }) : () -> ()
      %dma_start3A = arith.constant 0 : i32
      %dma_start3A_27 = arith.constant 0 : i32
      %dma_start3A_28 = tpu.memref_slice %arg2[%dma_start3A, %dma_start3A_27] : memref<10240x128xf32, #tpu.memory_space<hbm>> -> memref<10240x128xf32, #tpu.memory_space<hbm>>
      tpu.enqueue_indirect_dma source(%dma_start3A_28 : memref<10240x128xf32, #tpu.memory_space<hbm>>) target(%arg9 : memref<128x128xf32, #tpu.memory_space<vmem>>) offsets(%arg7 : memref<128xi32, #tpu.memory_space<vmem>>) semaphore(%arg11 : memref<!tpu.dma_semaphore, #tpu.memory_space<semaphore_mem>>)
      %dma_wait3A = arith.constant 0 : i32
      %dma_wait3A_29 = arith.constant 0 : i32
      %dma_wait3A_30 = tpu.memref_slice %arg2[%dma_wait3A, %dma_wait3A_29] : memref<10240x128xf32, #tpu.memory_space<hbm>> -> memref<10240x128xf32, #tpu.memory_space<hbm>>
      tpu.wait_indirect_dma semaphore(%arg11 : memref<!tpu.dma_semaphore, #tpu.memory_space<semaphore_mem>>) src(%dma_wait3A_30 : memref<10240x128xf32, #tpu.memory_space<hbm>>) dst(%arg9 : memref<128x128xf32, #tpu.memory_space<vmem>>)
      "tpu.region"() ({
        %run_scoped3A = tpu.sem_alloc : memref<!tpu.dma_semaphore, #tpu.memory_space<semaphore_mem>>
        %dma_start3A_31 = arith.constant 0 : i32
        %dma_start3A_32 = arith.constant 0 : i32
        %dma_start3A_33 = tpu.memref_slice %arg10[%dma_start3A_31, %dma_start3A_32] : memref<10240x128xf32, #tpu.memory_space<vmem_shared>> -> memref<10240x128xf32, #tpu.memory_space<vmem_shared>>
        tpu.enqueue_indirect_dma source(%arg9 : memref<128x128xf32, #tpu.memory_space<vmem>>) target(%dma_start3A_33 : memref<10240x128xf32, #tpu.memory_space<vmem_shared>>) offsets(%arg8 : memref<128xi32, #tpu.memory_space<vmem>>) semaphore(%run_scoped3A : memref<!tpu.dma_semaphore, #tpu.memory_space<semaphore_mem>>) {add = true}
        %dma_wait3A_34 = arith.constant 0 : i32
        %dma_wait3A_35 = arith.constant 0 : i32
        %dma_wait3A_36 = tpu.memref_slice %arg10[%dma_wait3A_34, %dma_wait3A_35] : memref<10240x128xf32, #tpu.memory_space<vmem_shared>> -> memref<10240x128xf32, #tpu.memory_space<vmem_shared>>
        tpu.wait_indirect_dma semaphore(%run_scoped3A : memref<!tpu.dma_semaphore, #tpu.memory_space<semaphore_mem>>) src(%arg9 : memref<128x128xf32, #tpu.memory_space<vmem>>) dst(%dma_wait3A_36 : memref<10240x128xf32, #tpu.memory_space<vmem_shared>>)
        tpu.yield
      }) : () -> ()
    }
    %barrier3A_18 = arith.constant 0 : index
    tpu.barrier barrier_id(%barrier3A_18)
    %mul3A_19 = arith.constant 640 : i32
    %mul3A_20 = arith.muli %arg1, %mul3A_19 : i32
    %mul3A_21 = arith.constant 640 : i32
    %mul3A_22 = arith.muli %arg1, %mul3A_21 : i32
    "tpu.region"() ({
      %run_scoped3A = tpu.sem_alloc : memref<!tpu.dma_semaphore, #tpu.memory_space<semaphore_mem>>
      %dma_start3A = arith.constant 0 : i32
      %dma_start3A_23 = tpu.memref_slice %arg6[%arg0, %mul3A_22, %dma_start3A] : memref<2x10240x128xf32, #tpu.memory_space<hbm>> -> memref<1x640x128xf32, #tpu.memory_space<hbm>>
      %dma_start3A_24 = tpu.memref_squeeze %dma_start3A_23 : memref<1x640x128xf32, #tpu.memory_space<hbm>> -> memref<640x128xf32, #tpu.memory_space<hbm>>
      %dma_start3A_25 = arith.constant 0 : i32
      %dma_start3A_26 = tpu.memref_slice %arg10[%mul3A_20, %dma_start3A_25] : memref<10240x128xf32, #tpu.memory_space<vmem_shared>> -> memref<640x128xf32, #tpu.memory_space<vmem_shared>>
      tpu.enqueue_dma source(%dma_start3A_26 : memref<640x128xf32, #tpu.memory_space<vmem_shared>>) target(%dma_start3A_24 : memref<640x128xf32, #tpu.memory_space<hbm>>) target_semaphore(%run_scoped3A : memref<!tpu.dma_semaphore, #tpu.memory_space<semaphore_mem>>)
      %dma_wait3A = arith.constant 0 : i32
      %dma_wait3A_27 = tpu.memref_slice %arg6[%arg0, %mul3A_22, %dma_wait3A] : memref<2x10240x128xf32, #tpu.memory_space<hbm>> -> memref<1x640x128xf32, #tpu.memory_space<hbm>>
      %dma_wait3A_28 = tpu.memref_squeeze %dma_wait3A_27 : memref<1x640x128xf32, #tpu.memory_space<hbm>> -> memref<640x128xf32, #tpu.memory_space<hbm>>
      %dma_wait3A_29 = arith.constant 0 : i32
      %dma_wait3A_30 = tpu.memref_slice %arg10[%mul3A_20, %dma_wait3A_29] : memref<10240x128xf32, #tpu.memory_space<vmem_shared>> -> memref<640x128xf32, #tpu.memory_space<vmem_shared>>
      tpu.wait_dma2 semaphore(%run_scoped3A : memref<!tpu.dma_semaphore, #tpu.memory_space<semaphore_mem>>) src(%dma_wait3A_30 : memref<640x128xf32, #tpu.memory_space<vmem_shared>>) dst(%dma_wait3A_28 : memref<640x128xf32, #tpu.memory_space<hbm>>)
      tpu.yield
    }) : () -> ()
    return
  }
}

#map = affine_map<(d0, d1) -> (0, 0)>
#map1 = affine_map<(d0, d1) -> (0)>
#map2 = affine_map<(d0, d1) -> (0, 0, 0)>
module attributes {stable_mosaic.version = 14 : i64} {
  func.func @k(%arg0: i32, %arg1: i32, %arg2: memref<10240x128xf32, #tpu.memory_space<hbm>>, %arg3: memref<323584xi32, #tpu.memory_space<hbm>>, %arg4: memref<323584xi32, #tpu.memory_space<hbm>>, %arg5: memref<10240x128xf32, #tpu.memory_space<hbm>>, %arg6: memref<2x10240x128xf32, #tpu.memory_space<hbm>>, %arg7: memref<128xi32, #tpu.memory_space<vmem>>, %arg8: memref<128xi32, #tpu.memory_space<vmem>>, %arg9: memref<128x128xf32, #tpu.memory_space<vmem>>, %arg10: memref<10240x128xf32, #tpu.memory_space<vmem_shared>>, %arg11: memref<!tpu.dma_semaphore, #tpu.memory_space<semaphore_mem>>) attributes {dimension_semantics = [#tpu.dimension_semantics<core_parallel>, #tpu.dimension_semantics<subcore_parallel>], iteration_bounds = array<i64: 2, 16>, scalar_prefetch = 0 : i64, scratch_operands = 5 : i64, tpu.core_type = #tpu.core_type<sc_vector_subcore>, window_params = [{transform_indices = #map}, {transform_indices = #map1}, {transform_indices = #map1}, {transform_indices = #map}, {transform_indices = #map2}]} {
    %mul3A = arith.constant 640 : i32
    %mul3A_0 = arith.muli %arg1, %mul3A : i32
    %mul3A_1 = arith.constant 640 : i32
    %mul3A_2 = arith.muli %arg1, %mul3A_1 : i32
    "tpu.region"() ({
      %run_scoped3A = tpu.sem_alloc : memref<!tpu.dma_semaphore, #tpu.memory_space<semaphore_mem>>
      %dma_start3A = arith.constant 0 : i32
      %dma_start3A_23 = tpu.memref_slice %arg10[%mul3A_2, %dma_start3A] : memref<10240x128xf32, #tpu.memory_space<vmem_shared>> -> memref<640x128xf32, #tpu.memory_space<vmem_shared>>
      %dma_start3A_24 = arith.constant 0 : i32
      %dma_start3A_25 = tpu.memref_slice %arg5[%mul3A_0, %dma_start3A_24] : memref<10240x128xf32, #tpu.memory_space<hbm>> -> memref<640x128xf32, #tpu.memory_space<hbm>>
      tpu.enqueue_dma source(%dma_start3A_25 : memref<640x128xf32, #tpu.memory_space<hbm>>) target(%dma_start3A_23 : memref<640x128xf32, #tpu.memory_space<vmem_shared>>) target_semaphore(%run_scoped3A : memref<!tpu.dma_semaphore, #tpu.memory_space<semaphore_mem>>)
      %dma_wait3A = arith.constant 0 : i32
      %dma_wait3A_26 = tpu.memref_slice %arg10[%mul3A_2, %dma_wait3A] : memref<10240x128xf32, #tpu.memory_space<vmem_shared>> -> memref<640x128xf32, #tpu.memory_space<vmem_shared>>
      %dma_wait3A_27 = arith.constant 0 : i32
      %dma_wait3A_28 = tpu.memref_slice %arg5[%mul3A_0, %dma_wait3A_27] : memref<10240x128xf32, #tpu.memory_space<hbm>> -> memref<640x128xf32, #tpu.memory_space<hbm>>
      tpu.wait_dma2 semaphore(%run_scoped3A : memref<!tpu.dma_semaphore, #tpu.memory_space<semaphore_mem>>) src(%dma_wait3A_28 : memref<640x128xf32, #tpu.memory_space<hbm>>) dst(%dma_wait3A_26 : memref<640x128xf32, #tpu.memory_space<vmem_shared>>)
      tpu.yield
    }) : () -> ()
    %barrier3A = arith.constant 0 : index
    tpu.barrier barrier_id(%barrier3A)
    %mul3A_3 = arith.constant 158 : i32
    %mul3A_4 = arith.muli %arg1, %mul3A_3 : i32
    %mul3A_5 = arith.constant 103 : i32
    %mul3A_6 = arith.muli %arg0, %mul3A_5 : i32
    %add3A = arith.addi %mul3A_4, %mul3A_6 : i32
    %eq3A = arith.constant 0 : i32
    %eq3A_7 = arith.cmpi eq, %arg0, %eq3A : i32
    %jit3A = arith.constant 103 : i32
    %jit3A_8 = arith.constant 55 : i32
    %select_n3A = arith.select %eq3A_7, %jit3A, %jit3A_8 : i32
    %while3A = arith.constant 0 : i32
    %while3A_9 = arith.constant 0 : i32
    %while3A_10 = arith.subi %select_n3A, %while3A_9 : i32
    %while3A_11 = arith.addi %while3A_9, %while3A_10 : i32
    %while3A_12 = arith.constant 1 : i32
    %while3A_13 = arith.divsi %while3A_10, %while3A_12 : i32
    %while3A_14 = arith.muli %while3A_13, %while3A_12 : i32
    %while3A_15 = arith.addi %while3A_9, %while3A_14 : i32
    %while3A_16 = arith.constant 1 : i32
    scf.for %while3A_23 = %while3A_9 to %while3A_15 step %while3A_16  : i32 {
      %add3A_24 = arith.addi %add3A, %while3A_23 : i32
      %mul3A_25 = arith.constant 128 : i32
      %mul3A_26 = arith.muli %add3A_24, %mul3A_25 : i32
      %multiple_of3A = tpu.assume_multiple %mul3A_26, 128 : i32
      "tpu.region"() ({
        %run_scoped3A = tpu.sem_alloc : memref<!tpu.dma_semaphore, #tpu.memory_space<semaphore_mem>>
        %dma_start3A_31 = tpu.memref_slice %arg3[%multiple_of3A] : memref<323584xi32, #tpu.memory_space<hbm>> -> memref<128xi32, #tpu.memory_space<hbm>>
        %dma_start3A_32 = tpu.memref_slice %arg3[%multiple_of3A] : memref<323584xi32, #tpu.memory_space<hbm>> -> memref<128xi32, #tpu.memory_space<hbm>>
        tpu.enqueue_dma source(%dma_start3A_32 : memref<128xi32, #tpu.memory_space<hbm>>) target(%arg7 : memref<128xi32, #tpu.memory_space<vmem>>) target_semaphore(%run_scoped3A : memref<!tpu.dma_semaphore, #tpu.memory_space<semaphore_mem>>)
        %dma_wait3A_33 = tpu.memref_slice %arg3[%multiple_of3A] : memref<323584xi32, #tpu.memory_space<hbm>> -> memref<128xi32, #tpu.memory_space<hbm>>
        %dma_wait3A_34 = tpu.memref_slice %arg3[%multiple_of3A] : memref<323584xi32, #tpu.memory_space<hbm>> -> memref<128xi32, #tpu.memory_space<hbm>>
        tpu.wait_dma2 semaphore(%run_scoped3A : memref<!tpu.dma_semaphore, #tpu.memory_space<semaphore_mem>>) src(%dma_wait3A_34 : memref<128xi32, #tpu.memory_space<hbm>>) dst(%arg7 : memref<128xi32, #tpu.memory_space<vmem>>)
        tpu.yield
      }) : () -> ()
      "tpu.region"() ({
        %run_scoped3A = tpu.sem_alloc : memref<!tpu.dma_semaphore, #tpu.memory_space<semaphore_mem>>
        %dma_start3A_31 = tpu.memref_slice %arg4[%multiple_of3A] : memref<323584xi32, #tpu.memory_space<hbm>> -> memref<128xi32, #tpu.memory_space<hbm>>
        %dma_start3A_32 = tpu.memref_slice %arg4[%multiple_of3A] : memref<323584xi32, #tpu.memory_space<hbm>> -> memref<128xi32, #tpu.memory_space<hbm>>
        tpu.enqueue_dma source(%dma_start3A_32 : memref<128xi32, #tpu.memory_space<hbm>>) target(%arg8 : memref<128xi32, #tpu.memory_space<vmem>>) target_semaphore(%run_scoped3A : memref<!tpu.dma_semaphore, #tpu.memory_space<semaphore_mem>>)
        %dma_wait3A_33 = tpu.memref_slice %arg4[%multiple_of3A] : memref<323584xi32, #tpu.memory_space<hbm>> -> memref<128xi32, #tpu.memory_space<hbm>>
        %dma_wait3A_34 = tpu.memref_slice %arg4[%multiple_of3A] : memref<323584xi32, #tpu.memory_space<hbm>> -> memref<128xi32, #tpu.memory_space<hbm>>
        tpu.wait_dma2 semaphore(%run_scoped3A : memref<!tpu.dma_semaphore, #tpu.memory_space<semaphore_mem>>) src(%dma_wait3A_34 : memref<128xi32, #tpu.memory_space<hbm>>) dst(%arg8 : memref<128xi32, #tpu.memory_space<vmem>>)
        tpu.yield
      }) : () -> ()
      %dma_start3A = arith.constant 0 : i32
      %dma_start3A_27 = arith.constant 0 : i32
      %dma_start3A_28 = tpu.memref_slice %arg2[%dma_start3A, %dma_start3A_27] : memref<10240x128xf32, #tpu.memory_space<hbm>> -> memref<10240x128xf32, #tpu.memory_space<hbm>>
      tpu.enqueue_indirect_dma source(%dma_start3A_28 : memref<10240x128xf32, #tpu.memory_space<hbm>>) target(%arg9 : memref<128x128xf32, #tpu.memory_space<vmem>>) offsets(%arg7 : memref<128xi32, #tpu.memory_space<vmem>>) semaphore(%arg11 : memref<!tpu.dma_semaphore, #tpu.memory_space<semaphore_mem>>)
      %dma_wait3A = arith.constant 0 : i32
      %dma_wait3A_29 = arith.constant 0 : i32
      %dma_wait3A_30 = tpu.memref_slice %arg2[%dma_wait3A, %dma_wait3A_29] : memref<10240x128xf32, #tpu.memory_space<hbm>> -> memref<10240x128xf32, #tpu.memory_space<hbm>>
      tpu.wait_indirect_dma semaphore(%arg11 : memref<!tpu.dma_semaphore, #tpu.memory_space<semaphore_mem>>) src(%dma_wait3A_30 : memref<10240x128xf32, #tpu.memory_space<hbm>>) dst(%arg9 : memref<128x128xf32, #tpu.memory_space<vmem>>)
      "tpu.region"() ({
        %run_scoped3A = tpu.sem_alloc : memref<!tpu.dma_semaphore, #tpu.memory_space<semaphore_mem>>
        %dma_start3A_31 = arith.constant 0 : i32
        %dma_start3A_32 = arith.constant 0 : i32
        %dma_start3A_33 = tpu.memref_slice %arg10[%dma_start3A_31, %dma_start3A_32] : memref<10240x128xf32, #tpu.memory_space<vmem_shared>> -> memref<10240x128xf32, #tpu.memory_space<vmem_shared>>
        tpu.enqueue_indirect_dma source(%arg9 : memref<128x128xf32, #tpu.memory_space<vmem>>) target(%dma_start3A_33 : memref<10240x128xf32, #tpu.memory_space<vmem_shared>>) offsets(%arg8 : memref<128xi32, #tpu.memory_space<vmem>>) semaphore(%run_scoped3A : memref<!tpu.dma_semaphore, #tpu.memory_space<semaphore_mem>>) {add = true}
        %dma_wait3A_34 = arith.constant 0 : i32
        %dma_wait3A_35 = arith.constant 0 : i32
        %dma_wait3A_36 = tpu.memref_slice %arg10[%dma_wait3A_34, %dma_wait3A_35] : memref<10240x128xf32, #tpu.memory_space<vmem_shared>> -> memref<10240x128xf32, #tpu.memory_space<vmem_shared>>
        tpu.wait_indirect_dma semaphore(%run_scoped3A : memref<!tpu.dma_semaphore, #tpu.memory_space<semaphore_mem>>) src(%arg9 : memref<128x128xf32, #tpu.memory_space<vmem>>) dst(%dma_wait3A_36 : memref<10240x128xf32, #tpu.memory_space<vmem_shared>>)
        tpu.yield
      }) : () -> ()
    }
    %while3A_17 = arith.constant 1 : i32
    scf.for %while3A_23 = %while3A_15 to %while3A_11 step %while3A_17  : i32 {
      %add3A_24 = arith.addi %add3A, %while3A_23 : i32
      %mul3A_25 = arith.constant 128 : i32
      %mul3A_26 = arith.muli %add3A_24, %mul3A_25 : i32
      %multiple_of3A = tpu.assume_multiple %mul3A_26, 128 : i32
      "tpu.region"() ({
        %run_scoped3A = tpu.sem_alloc : memref<!tpu.dma_semaphore, #tpu.memory_space<semaphore_mem>>
        %dma_start3A_31 = tpu.memref_slice %arg3[%multiple_of3A] : memref<323584xi32, #tpu.memory_space<hbm>> -> memref<128xi32, #tpu.memory_space<hbm>>
        %dma_start3A_32 = tpu.memref_slice %arg3[%multiple_of3A] : memref<323584xi32, #tpu.memory_space<hbm>> -> memref<128xi32, #tpu.memory_space<hbm>>
        tpu.enqueue_dma source(%dma_start3A_32 : memref<128xi32, #tpu.memory_space<hbm>>) target(%arg7 : memref<128xi32, #tpu.memory_space<vmem>>) target_semaphore(%run_scoped3A : memref<!tpu.dma_semaphore, #tpu.memory_space<semaphore_mem>>)
        %dma_wait3A_33 = tpu.memref_slice %arg3[%multiple_of3A] : memref<323584xi32, #tpu.memory_space<hbm>> -> memref<128xi32, #tpu.memory_space<hbm>>
        %dma_wait3A_34 = tpu.memref_slice %arg3[%multiple_of3A] : memref<323584xi32, #tpu.memory_space<hbm>> -> memref<128xi32, #tpu.memory_space<hbm>>
        tpu.wait_dma2 semaphore(%run_scoped3A : memref<!tpu.dma_semaphore, #tpu.memory_space<semaphore_mem>>) src(%dma_wait3A_34 : memref<128xi32, #tpu.memory_space<hbm>>) dst(%arg7 : memref<128xi32, #tpu.memory_space<vmem>>)
        tpu.yield
      }) : () -> ()
      "tpu.region"() ({
        %run_scoped3A = tpu.sem_alloc : memref<!tpu.dma_semaphore, #tpu.memory_space<semaphore_mem>>
        %dma_start3A_31 = tpu.memref_slice %arg4[%multiple_of3A] : memref<323584xi32, #tpu.memory_space<hbm>> -> memref<128xi32, #tpu.memory_space<hbm>>
        %dma_start3A_32 = tpu.memref_slice %arg4[%multiple_of3A] : memref<323584xi32, #tpu.memory_space<hbm>> -> memref<128xi32, #tpu.memory_space<hbm>>
        tpu.enqueue_dma source(%dma_start3A_32 : memref<128xi32, #tpu.memory_space<hbm>>) target(%arg8 : memref<128xi32, #tpu.memory_space<vmem>>) target_semaphore(%run_scoped3A : memref<!tpu.dma_semaphore, #tpu.memory_space<semaphore_mem>>)
        %dma_wait3A_33 = tpu.memref_slice %arg4[%multiple_of3A] : memref<323584xi32, #tpu.memory_space<hbm>> -> memref<128xi32, #tpu.memory_space<hbm>>
        %dma_wait3A_34 = tpu.memref_slice %arg4[%multiple_of3A] : memref<323584xi32, #tpu.memory_space<hbm>> -> memref<128xi32, #tpu.memory_space<hbm>>
        tpu.wait_dma2 semaphore(%run_scoped3A : memref<!tpu.dma_semaphore, #tpu.memory_space<semaphore_mem>>) src(%dma_wait3A_34 : memref<128xi32, #tpu.memory_space<hbm>>) dst(%arg8 : memref<128xi32, #tpu.memory_space<vmem>>)
        tpu.yield
      }) : () -> ()
      %dma_start3A = arith.constant 0 : i32
      %dma_start3A_27 = arith.constant 0 : i32
      %dma_start3A_28 = tpu.memref_slice %arg2[%dma_start3A, %dma_start3A_27] : memref<10240x128xf32, #tpu.memory_space<hbm>> -> memref<10240x128xf32, #tpu.memory_space<hbm>>
      tpu.enqueue_indirect_dma source(%dma_start3A_28 : memref<10240x128xf32, #tpu.memory_space<hbm>>) target(%arg9 : memref<128x128xf32, #tpu.memory_space<vmem>>) offsets(%arg7 : memref<128xi32, #tpu.memory_space<vmem>>) semaphore(%arg11 : memref<!tpu.dma_semaphore, #tpu.memory_space<semaphore_mem>>)
      %dma_wait3A = arith.constant 0 : i32
      %dma_wait3A_29 = arith.constant 0 : i32
      %dma_wait3A_30 = tpu.memref_slice %arg2[%dma_wait3A, %dma_wait3A_29] : memref<10240x128xf32, #tpu.memory_space<hbm>> -> memref<10240x128xf32, #tpu.memory_space<hbm>>
      tpu.wait_indirect_dma semaphore(%arg11 : memref<!tpu.dma_semaphore, #tpu.memory_space<semaphore_mem>>) src(%dma_wait3A_30 : memref<10240x128xf32, #tpu.memory_space<hbm>>) dst(%arg9 : memref<128x128xf32, #tpu.memory_space<vmem>>)
      "tpu.region"() ({
        %run_scoped3A = tpu.sem_alloc : memref<!tpu.dma_semaphore, #tpu.memory_space<semaphore_mem>>
        %dma_start3A_31 = arith.constant 0 : i32
        %dma_start3A_32 = arith.constant 0 : i32
        %dma_start3A_33 = tpu.memref_slice %arg10[%dma_start3A_31, %dma_start3A_32] : memref<10240x128xf32, #tpu.memory_space<vmem_shared>> -> memref<10240x128xf32, #tpu.memory_space<vmem_shared>>
        tpu.enqueue_indirect_dma source(%arg9 : memref<128x128xf32, #tpu.memory_space<vmem>>) target(%dma_start3A_33 : memref<10240x128xf32, #tpu.memory_space<vmem_shared>>) offsets(%arg8 : memref<128xi32, #tpu.memory_space<vmem>>) semaphore(%run_scoped3A : memref<!tpu.dma_semaphore, #tpu.memory_space<semaphore_mem>>) {add = true}
        %dma_wait3A_34 = arith.constant 0 : i32
        %dma_wait3A_35 = arith.constant 0 : i32
        %dma_wait3A_36 = tpu.memref_slice %arg10[%dma_wait3A_34, %dma_wait3A_35] : memref<10240x128xf32, #tpu.memory_space<vmem_shared>> -> memref<10240x128xf32, #tpu.memory_space<vmem_shared>>
        tpu.wait_indirect_dma semaphore(%run_scoped3A : memref<!tpu.dma_semaphore, #tpu.memory_space<semaphore_mem>>) src(%arg9 : memref<128x128xf32, #tpu.memory_space<vmem>>) dst(%dma_wait3A_36 : memref<10240x128xf32, #tpu.memory_space<vmem_shared>>)
        tpu.yield
      }) : () -> ()
    }
    %barrier3A_18 = arith.constant 0 : index
    tpu.barrier barrier_id(%barrier3A_18)
    %mul3A_19 = arith.constant 640 : i32
    %mul3A_20 = arith.muli %arg1, %mul3A_19 : i32
    %mul3A_21 = arith.constant 640 : i32
    %mul3A_22 = arith.muli %arg1, %mul3A_21 : i32
    "tpu.region"() ({
      %run_scoped3A = tpu.sem_alloc : memref<!tpu.dma_semaphore, #tpu.memory_space<semaphore_mem>>
      %dma_start3A = arith.constant 0 : i32
      %dma_start3A_23 = tpu.memref_slice %arg6[%arg0, %mul3A_22, %dma_start3A] : memref<2x10240x128xf32, #tpu.memory_space<hbm>> -> memref<1x640x128xf32, #tpu.memory_space<hbm>>
      %dma_start3A_24 = tpu.memref_squeeze %dma_start3A_23 : memref<1x640x128xf32, #tpu.memory_space<hbm>> -> memref<640x128xf32, #tpu.memory_space<hbm>>
      %dma_start3A_25 = arith.constant 0 : i32
      %dma_start3A_26 = tpu.memref_slice %arg10[%mul3A_20, %dma_start3A_25] : memref<10240x128xf32, #tpu.memory_space<vmem_shared>> -> memref<640x128xf32, #tpu.memory_space<vmem_shared>>
      tpu.enqueue_dma source(%dma_start3A_26 : memref<640x128xf32, #tpu.memory_space<vmem_shared>>) target(%dma_start3A_24 : memref<640x128xf32, #tpu.memory_space<hbm>>) target_semaphore(%run_scoped3A : memref<!tpu.dma_semaphore, #tpu.memory_space<semaphore_mem>>)
      %dma_wait3A = arith.constant 0 : i32
      %dma_wait3A_27 = tpu.memref_slice %arg6[%arg0, %mul3A_22, %dma_wait3A] : memref<2x10240x128xf32, #tpu.memory_space<hbm>> -> memref<1x640x128xf32, #tpu.memory_space<hbm>>
      %dma_wait3A_28 = tpu.memref_squeeze %dma_wait3A_27 : memref<1x640x128xf32, #tpu.memory_space<hbm>> -> memref<640x128xf32, #tpu.memory_space<hbm>>
      %dma_wait3A_29 = arith.constant 0 : i32
      %dma_wait3A_30 = tpu.memref_slice %arg10[%mul3A_20, %dma_wait3A_29] : memref<10240x128xf32, #tpu.memory_space<vmem_shared>> -> memref<640x128xf32, #tpu.memory_space<vmem_shared>>
      tpu.wait_dma2 semaphore(%run_scoped3A : memref<!tpu.dma_semaphore, #tpu.memory_space<semaphore_mem>>) src(%dma_wait3A_30 : memref<640x128xf32, #tpu.memory_space<vmem_shared>>) dst(%dma_wait3A_28 : memref<640x128xf32, #tpu.memory_space<hbm>>)
      tpu.yield
    }) : () -> ()
    return
  }
}

#map = affine_map<(d0, d1) -> (0, 0)>
#map1 = affine_map<(d0, d1) -> (0)>
#map2 = affine_map<(d0, d1) -> (0, 0, 0)>
module attributes {stable_mosaic.version = 14 : i64} {
  func.func @k(%arg0: i32, %arg1: i32, %arg2: memref<10240x128xf32, #tpu.memory_space<hbm>>, %arg3: memref<323584xi32, #tpu.memory_space<hbm>>, %arg4: memref<323584xi32, #tpu.memory_space<hbm>>, %arg5: memref<10240x128xf32, #tpu.memory_space<hbm>>, %arg6: memref<2x10240x128xf32, #tpu.memory_space<hbm>>, %arg7: memref<128xi32, #tpu.memory_space<vmem>>, %arg8: memref<128xi32, #tpu.memory_space<vmem>>, %arg9: memref<128x128xf32, #tpu.memory_space<vmem>>, %arg10: memref<10240x128xf32, #tpu.memory_space<vmem_shared>>, %arg11: memref<!tpu.dma_semaphore, #tpu.memory_space<semaphore_mem>>) attributes {dimension_semantics = [#tpu.dimension_semantics<core_parallel>, #tpu.dimension_semantics<subcore_parallel>], iteration_bounds = array<i64: 2, 16>, scalar_prefetch = 0 : i64, scratch_operands = 5 : i64, tpu.core_type = #tpu.core_type<sc_vector_subcore>, window_params = [{transform_indices = #map}, {transform_indices = #map1}, {transform_indices = #map1}, {transform_indices = #map}, {transform_indices = #map2}]} {
    %mul3A = arith.constant 640 : i32
    %mul3A_0 = arith.muli %arg1, %mul3A : i32
    %mul3A_1 = arith.constant 640 : i32
    %mul3A_2 = arith.muli %arg1, %mul3A_1 : i32
    "tpu.region"() ({
      %run_scoped3A = tpu.sem_alloc : memref<!tpu.dma_semaphore, #tpu.memory_space<semaphore_mem>>
      %dma_start3A = arith.constant 0 : i32
      %dma_start3A_23 = tpu.memref_slice %arg10[%mul3A_2, %dma_start3A] : memref<10240x128xf32, #tpu.memory_space<vmem_shared>> -> memref<640x128xf32, #tpu.memory_space<vmem_shared>>
      %dma_start3A_24 = arith.constant 0 : i32
      %dma_start3A_25 = tpu.memref_slice %arg5[%mul3A_0, %dma_start3A_24] : memref<10240x128xf32, #tpu.memory_space<hbm>> -> memref<640x128xf32, #tpu.memory_space<hbm>>
      tpu.enqueue_dma source(%dma_start3A_25 : memref<640x128xf32, #tpu.memory_space<hbm>>) target(%dma_start3A_23 : memref<640x128xf32, #tpu.memory_space<vmem_shared>>) target_semaphore(%run_scoped3A : memref<!tpu.dma_semaphore, #tpu.memory_space<semaphore_mem>>)
      %dma_wait3A = arith.constant 0 : i32
      %dma_wait3A_26 = tpu.memref_slice %arg10[%mul3A_2, %dma_wait3A] : memref<10240x128xf32, #tpu.memory_space<vmem_shared>> -> memref<640x128xf32, #tpu.memory_space<vmem_shared>>
      %dma_wait3A_27 = arith.constant 0 : i32
      %dma_wait3A_28 = tpu.memref_slice %arg5[%mul3A_0, %dma_wait3A_27] : memref<10240x128xf32, #tpu.memory_space<hbm>> -> memref<640x128xf32, #tpu.memory_space<hbm>>
      tpu.wait_dma2 semaphore(%run_scoped3A : memref<!tpu.dma_semaphore, #tpu.memory_space<semaphore_mem>>) src(%dma_wait3A_28 : memref<640x128xf32, #tpu.memory_space<hbm>>) dst(%dma_wait3A_26 : memref<640x128xf32, #tpu.memory_space<vmem_shared>>)
      tpu.yield
    }) : () -> ()
    %barrier3A = arith.constant 0 : index
    tpu.barrier barrier_id(%barrier3A)
    %mul3A_3 = arith.constant 158 : i32
    %mul3A_4 = arith.muli %arg1, %mul3A_3 : i32
    %mul3A_5 = arith.constant 103 : i32
    %mul3A_6 = arith.muli %arg0, %mul3A_5 : i32
    %add3A = arith.addi %mul3A_4, %mul3A_6 : i32
    %eq3A = arith.constant 0 : i32
    %eq3A_7 = arith.cmpi eq, %arg0, %eq3A : i32
    %jit3A = arith.constant 103 : i32
    %jit3A_8 = arith.constant 55 : i32
    %select_n3A = arith.select %eq3A_7, %jit3A, %jit3A_8 : i32
    %while3A = arith.constant 0 : i32
    %while3A_9 = arith.constant 0 : i32
    %while3A_10 = arith.subi %select_n3A, %while3A_9 : i32
    %while3A_11 = arith.addi %while3A_9, %while3A_10 : i32
    %while3A_12 = arith.constant 1 : i32
    %while3A_13 = arith.divsi %while3A_10, %while3A_12 : i32
    %while3A_14 = arith.muli %while3A_13, %while3A_12 : i32
    %while3A_15 = arith.addi %while3A_9, %while3A_14 : i32
    %while3A_16 = arith.constant 1 : i32
    scf.for %while3A_23 = %while3A_9 to %while3A_15 step %while3A_16  : i32 {
      %add3A_24 = arith.addi %add3A, %while3A_23 : i32
      %mul3A_25 = arith.constant 128 : i32
      %mul3A_26 = arith.muli %add3A_24, %mul3A_25 : i32
      %multiple_of3A = tpu.assume_multiple %mul3A_26, 128 : i32
      "tpu.region"() ({
        %run_scoped3A = tpu.sem_alloc : memref<!tpu.dma_semaphore, #tpu.memory_space<semaphore_mem>>
        %dma_start3A_31 = tpu.memref_slice %arg3[%multiple_of3A] : memref<323584xi32, #tpu.memory_space<hbm>> -> memref<128xi32, #tpu.memory_space<hbm>>
        %dma_start3A_32 = tpu.memref_slice %arg3[%multiple_of3A] : memref<323584xi32, #tpu.memory_space<hbm>> -> memref<128xi32, #tpu.memory_space<hbm>>
        tpu.enqueue_dma source(%dma_start3A_32 : memref<128xi32, #tpu.memory_space<hbm>>) target(%arg7 : memref<128xi32, #tpu.memory_space<vmem>>) target_semaphore(%run_scoped3A : memref<!tpu.dma_semaphore, #tpu.memory_space<semaphore_mem>>)
        %dma_wait3A_33 = tpu.memref_slice %arg3[%multiple_of3A] : memref<323584xi32, #tpu.memory_space<hbm>> -> memref<128xi32, #tpu.memory_space<hbm>>
        %dma_wait3A_34 = tpu.memref_slice %arg3[%multiple_of3A] : memref<323584xi32, #tpu.memory_space<hbm>> -> memref<128xi32, #tpu.memory_space<hbm>>
        tpu.wait_dma2 semaphore(%run_scoped3A : memref<!tpu.dma_semaphore, #tpu.memory_space<semaphore_mem>>) src(%dma_wait3A_34 : memref<128xi32, #tpu.memory_space<hbm>>) dst(%arg7 : memref<128xi32, #tpu.memory_space<vmem>>)
        tpu.yield
      }) : () -> ()
      "tpu.region"() ({
        %run_scoped3A = tpu.sem_alloc : memref<!tpu.dma_semaphore, #tpu.memory_space<semaphore_mem>>
        %dma_start3A_31 = tpu.memref_slice %arg4[%multiple_of3A] : memref<323584xi32, #tpu.memory_space<hbm>> -> memref<128xi32, #tpu.memory_space<hbm>>
        %dma_start3A_32 = tpu.memref_slice %arg4[%multiple_of3A] : memref<323584xi32, #tpu.memory_space<hbm>> -> memref<128xi32, #tpu.memory_space<hbm>>
        tpu.enqueue_dma source(%dma_start3A_32 : memref<128xi32, #tpu.memory_space<hbm>>) target(%arg8 : memref<128xi32, #tpu.memory_space<vmem>>) target_semaphore(%run_scoped3A : memref<!tpu.dma_semaphore, #tpu.memory_space<semaphore_mem>>)
        %dma_wait3A_33 = tpu.memref_slice %arg4[%multiple_of3A] : memref<323584xi32, #tpu.memory_space<hbm>> -> memref<128xi32, #tpu.memory_space<hbm>>
        %dma_wait3A_34 = tpu.memref_slice %arg4[%multiple_of3A] : memref<323584xi32, #tpu.memory_space<hbm>> -> memref<128xi32, #tpu.memory_space<hbm>>
        tpu.wait_dma2 semaphore(%run_scoped3A : memref<!tpu.dma_semaphore, #tpu.memory_space<semaphore_mem>>) src(%dma_wait3A_34 : memref<128xi32, #tpu.memory_space<hbm>>) dst(%arg8 : memref<128xi32, #tpu.memory_space<vmem>>)
        tpu.yield
      }) : () -> ()
      %dma_start3A = arith.constant 0 : i32
      %dma_start3A_27 = arith.constant 0 : i32
      %dma_start3A_28 = tpu.memref_slice %arg2[%dma_start3A, %dma_start3A_27] : memref<10240x128xf32, #tpu.memory_space<hbm>> -> memref<10240x128xf32, #tpu.memory_space<hbm>>
      tpu.enqueue_indirect_dma source(%dma_start3A_28 : memref<10240x128xf32, #tpu.memory_space<hbm>>) target(%arg9 : memref<128x128xf32, #tpu.memory_space<vmem>>) offsets(%arg7 : memref<128xi32, #tpu.memory_space<vmem>>) semaphore(%arg11 : memref<!tpu.dma_semaphore, #tpu.memory_space<semaphore_mem>>)
      %dma_wait3A = arith.constant 0 : i32
      %dma_wait3A_29 = arith.constant 0 : i32
      %dma_wait3A_30 = tpu.memref_slice %arg2[%dma_wait3A, %dma_wait3A_29] : memref<10240x128xf32, #tpu.memory_space<hbm>> -> memref<10240x128xf32, #tpu.memory_space<hbm>>
      tpu.wait_indirect_dma semaphore(%arg11 : memref<!tpu.dma_semaphore, #tpu.memory_space<semaphore_mem>>) src(%dma_wait3A_30 : memref<10240x128xf32, #tpu.memory_space<hbm>>) dst(%arg9 : memref<128x128xf32, #tpu.memory_space<vmem>>)
      "tpu.region"() ({
        %run_scoped3A = tpu.sem_alloc : memref<!tpu.dma_semaphore, #tpu.memory_space<semaphore_mem>>
        %dma_start3A_31 = arith.constant 0 : i32
        %dma_start3A_32 = arith.constant 0 : i32
        %dma_start3A_33 = tpu.memref_slice %arg10[%dma_start3A_31, %dma_start3A_32] : memref<10240x128xf32, #tpu.memory_space<vmem_shared>> -> memref<10240x128xf32, #tpu.memory_space<vmem_shared>>
        tpu.enqueue_indirect_dma source(%arg9 : memref<128x128xf32, #tpu.memory_space<vmem>>) target(%dma_start3A_33 : memref<10240x128xf32, #tpu.memory_space<vmem_shared>>) offsets(%arg8 : memref<128xi32, #tpu.memory_space<vmem>>) semaphore(%run_scoped3A : memref<!tpu.dma_semaphore, #tpu.memory_space<semaphore_mem>>) {add = true}
        %dma_wait3A_34 = arith.constant 0 : i32
        %dma_wait3A_35 = arith.constant 0 : i32
        %dma_wait3A_36 = tpu.memref_slice %arg10[%dma_wait3A_34, %dma_wait3A_35] : memref<10240x128xf32, #tpu.memory_space<vmem_shared>> -> memref<10240x128xf32, #tpu.memory_space<vmem_shared>>
        tpu.wait_indirect_dma semaphore(%run_scoped3A : memref<!tpu.dma_semaphore, #tpu.memory_space<semaphore_mem>>) src(%arg9 : memref<128x128xf32, #tpu.memory_space<vmem>>) dst(%dma_wait3A_36 : memref<10240x128xf32, #tpu.memory_space<vmem_shared>>)
        tpu.yield
      }) : () -> ()
    }
    %while3A_17 = arith.constant 1 : i32
    scf.for %while3A_23 = %while3A_15 to %while3A_11 step %while3A_17  : i32 {
      %add3A_24 = arith.addi %add3A, %while3A_23 : i32
      %mul3A_25 = arith.constant 128 : i32
      %mul3A_26 = arith.muli %add3A_24, %mul3A_25 : i32
      %multiple_of3A = tpu.assume_multiple %mul3A_26, 128 : i32
      "tpu.region"() ({
        %run_scoped3A = tpu.sem_alloc : memref<!tpu.dma_semaphore, #tpu.memory_space<semaphore_mem>>
        %dma_start3A_31 = tpu.memref_slice %arg3[%multiple_of3A] : memref<323584xi32, #tpu.memory_space<hbm>> -> memref<128xi32, #tpu.memory_space<hbm>>
        %dma_start3A_32 = tpu.memref_slice %arg3[%multiple_of3A] : memref<323584xi32, #tpu.memory_space<hbm>> -> memref<128xi32, #tpu.memory_space<hbm>>
        tpu.enqueue_dma source(%dma_start3A_32 : memref<128xi32, #tpu.memory_space<hbm>>) target(%arg7 : memref<128xi32, #tpu.memory_space<vmem>>) target_semaphore(%run_scoped3A : memref<!tpu.dma_semaphore, #tpu.memory_space<semaphore_mem>>)
        %dma_wait3A_33 = tpu.memref_slice %arg3[%multiple_of3A] : memref<323584xi32, #tpu.memory_space<hbm>> -> memref<128xi32, #tpu.memory_space<hbm>>
        %dma_wait3A_34 = tpu.memref_slice %arg3[%multiple_of3A] : memref<323584xi32, #tpu.memory_space<hbm>> -> memref<128xi32, #tpu.memory_space<hbm>>
        tpu.wait_dma2 semaphore(%run_scoped3A : memref<!tpu.dma_semaphore, #tpu.memory_space<semaphore_mem>>) src(%dma_wait3A_34 : memref<128xi32, #tpu.memory_space<hbm>>) dst(%arg7 : memref<128xi32, #tpu.memory_space<vmem>>)
        tpu.yield
      }) : () -> ()
      "tpu.region"() ({
        %run_scoped3A = tpu.sem_alloc : memref<!tpu.dma_semaphore, #tpu.memory_space<semaphore_mem>>
        %dma_start3A_31 = tpu.memref_slice %arg4[%multiple_of3A] : memref<323584xi32, #tpu.memory_space<hbm>> -> memref<128xi32, #tpu.memory_space<hbm>>
        %dma_start3A_32 = tpu.memref_slice %arg4[%multiple_of3A] : memref<323584xi32, #tpu.memory_space<hbm>> -> memref<128xi32, #tpu.memory_space<hbm>>
        tpu.enqueue_dma source(%dma_start3A_32 : memref<128xi32, #tpu.memory_space<hbm>>) target(%arg8 : memref<128xi32, #tpu.memory_space<vmem>>) target_semaphore(%run_scoped3A : memref<!tpu.dma_semaphore, #tpu.memory_space<semaphore_mem>>)
        %dma_wait3A_33 = tpu.memref_slice %arg4[%multiple_of3A] : memref<323584xi32, #tpu.memory_space<hbm>> -> memref<128xi32, #tpu.memory_space<hbm>>
        %dma_wait3A_34 = tpu.memref_slice %arg4[%multiple_of3A] : memref<323584xi32, #tpu.memory_space<hbm>> -> memref<128xi32, #tpu.memory_space<hbm>>
        tpu.wait_dma2 semaphore(%run_scoped3A : memref<!tpu.dma_semaphore, #tpu.memory_space<semaphore_mem>>) src(%dma_wait3A_34 : memref<128xi32, #tpu.memory_space<hbm>>) dst(%arg8 : memref<128xi32, #tpu.memory_space<vmem>>)
        tpu.yield
      }) : () -> ()
      %dma_start3A = arith.constant 0 : i32
      %dma_start3A_27 = arith.constant 0 : i32
      %dma_start3A_28 = tpu.memref_slice %arg2[%dma_start3A, %dma_start3A_27] : memref<10240x128xf32, #tpu.memory_space<hbm>> -> memref<10240x128xf32, #tpu.memory_space<hbm>>
      tpu.enqueue_indirect_dma source(%dma_start3A_28 : memref<10240x128xf32, #tpu.memory_space<hbm>>) target(%arg9 : memref<128x128xf32, #tpu.memory_space<vmem>>) offsets(%arg7 : memref<128xi32, #tpu.memory_space<vmem>>) semaphore(%arg11 : memref<!tpu.dma_semaphore, #tpu.memory_space<semaphore_mem>>)
      %dma_wait3A = arith.constant 0 : i32
      %dma_wait3A_29 = arith.constant 0 : i32
      %dma_wait3A_30 = tpu.memref_slice %arg2[%dma_wait3A, %dma_wait3A_29] : memref<10240x128xf32, #tpu.memory_space<hbm>> -> memref<10240x128xf32, #tpu.memory_space<hbm>>
      tpu.wait_indirect_dma semaphore(%arg11 : memref<!tpu.dma_semaphore, #tpu.memory_space<semaphore_mem>>) src(%dma_wait3A_30 : memref<10240x128xf32, #tpu.memory_space<hbm>>) dst(%arg9 : memref<128x128xf32, #tpu.memory_space<vmem>>)
      "tpu.region"() ({
        %run_scoped3A = tpu.sem_alloc : memref<!tpu.dma_semaphore, #tpu.memory_space<semaphore_mem>>
        %dma_start3A_31 = arith.constant 0 : i32
        %dma_start3A_32 = arith.constant 0 : i32
        %dma_start3A_33 = tpu.memref_slice %arg10[%dma_start3A_31, %dma_start3A_32] : memref<10240x128xf32, #tpu.memory_space<vmem_shared>> -> memref<10240x128xf32, #tpu.memory_space<vmem_shared>>
        tpu.enqueue_indirect_dma source(%arg9 : memref<128x128xf32, #tpu.memory_space<vmem>>) target(%dma_start3A_33 : memref<10240x128xf32, #tpu.memory_space<vmem_shared>>) offsets(%arg8 : memref<128xi32, #tpu.memory_space<vmem>>) semaphore(%run_scoped3A : memref<!tpu.dma_semaphore, #tpu.memory_space<semaphore_mem>>) {add = true}
        %dma_wait3A_34 = arith.constant 0 : i32
        %dma_wait3A_35 = arith.constant 0 : i32
        %dma_wait3A_36 = tpu.memref_slice %arg10[%dma_wait3A_34, %dma_wait3A_35] : memref<10240x128xf32, #tpu.memory_space<vmem_shared>> -> memref<10240x128xf32, #tpu.memory_space<vmem_shared>>
        tpu.wait_indirect_dma semaphore(%run_scoped3A : memref<!tpu.dma_semaphore, #tpu.memory_space<semaphore_mem>>) src(%arg9 : memref<128x128xf32, #tpu.memory_space<vmem>>) dst(%dma_wait3A_36 : memref<10240x128xf32, #tpu.memory_space<vmem_shared>>)
        tpu.yield
      }) : () -> ()
    }
    %barrier3A_18 = arith.constant 0 : index
    tpu.barrier barrier_id(%barrier3A_18)
    %mul3A_19 = arith.constant 640 : i32
    %mul3A_20 = arith.muli %arg1, %mul3A_19 : i32
    %mul3A_21 = arith.constant 640 : i32
    %mul3A_22 = arith.muli %arg1, %mul3A_21 : i32
    "tpu.region"() ({
      %run_scoped3A = tpu.sem_alloc : memref<!tpu.dma_semaphore, #tpu.memory_space<semaphore_mem>>
      %dma_start3A = arith.constant 0 : i32
      %dma_start3A_23 = tpu.memref_slice %arg6[%arg0, %mul3A_22, %dma_start3A] : memref<2x10240x128xf32, #tpu.memory_space<hbm>> -> memref<1x640x128xf32, #tpu.memory_space<hbm>>
      %dma_start3A_24 = tpu.memref_squeeze %dma_start3A_23 : memref<1x640x128xf32, #tpu.memory_space<hbm>> -> memref<640x128xf32, #tpu.memory_space<hbm>>
      %dma_start3A_25 = arith.constant 0 : i32
      %dma_start3A_26 = tpu.memref_slice %arg10[%mul3A_20, %dma_start3A_25] : memref<10240x128xf32, #tpu.memory_space<vmem_shared>> -> memref<640x128xf32, #tpu.memory_space<vmem_shared>>
      tpu.enqueue_dma source(%dma_start3A_26 : memref<640x128xf32, #tpu.memory_space<vmem_shared>>) target(%dma_start3A_24 : memref<640x128xf32, #tpu.memory_space<hbm>>) target_semaphore(%run_scoped3A : memref<!tpu.dma_semaphore, #tpu.memory_space<semaphore_mem>>)
      %dma_wait3A = arith.constant 0 : i32
      %dma_wait3A_27 = tpu.memref_slice %arg6[%arg0, %mul3A_22, %dma_wait3A] : memref<2x10240x128xf32, #tpu.memory_space<hbm>> -> memref<1x640x128xf32, #tpu.memory_space<hbm>>
      %dma_wait3A_28 = tpu.memref_squeeze %dma_wait3A_27 : memref<1x640x128xf32, #tpu.memory_space<hbm>> -> memref<640x128xf32, #tpu.memory_space<hbm>>
      %dma_wait3A_29 = arith.constant 0 : i32
      %dma_wait3A_30 = tpu.memref_slice %arg10[%mul3A_20, %dma_wait3A_29] : memref<10240x128xf32, #tpu.memory_space<vmem_shared>> -> memref<640x128xf32, #tpu.memory_space<vmem_shared>>
      tpu.wait_dma2 semaphore(%run_scoped3A : memref<!tpu.dma_semaphore, #tpu.memory_space<semaphore_mem>>) src(%dma_wait3A_30 : memref<640x128xf32, #tpu.memory_space<vmem_shared>>) dst(%dma_wait3A_28 : memref<640x128xf32, #tpu.memory_space<hbm>>)
      tpu.yield
    }) : () -> ()
    return
  }
}

module attributes {stable_mosaic.version = 14 : i64} {
  func.func @body(%arg0: i32, %arg1: memref<512x128xf32, #tpu.memory_space<vmem>>, %arg2: memref<2x512x128xf32, #tpu.memory_space<vmem>>, %arg3: memref<128x128xf32, #tpu.memory_space<vmem>>, %arg4: memref<1x128xf32, #tpu.memory_space<vmem>>, %arg5: memref<128x128xf32, #tpu.memory_space<vmem>>, %arg6: memref<1x128xf32, #tpu.memory_space<vmem>>, %arg7: memref<1x128xf32, #tpu.memory_space<vmem>>, %arg8: memref<1x128xf32, #tpu.memory_space<vmem>>, %arg9: memref<512x128xf32, #tpu.memory_space<vmem>>) attributes {dimension_semantics = [#tpu.dimension_semantics<arbitrary>], iteration_bounds = array<i64: 20>, scalar_prefetch = 0 : i64, scratch_operands = 0 : i64, tpu.core_type = #tpu.core_type<tc>, window_params = [{transform_indices = @transform_0, window_bounds = array<i64: 512, 128>}, {transform_indices = @transform_1, window_bounds = array<i64: 2, 512, 128>}, {pipeline_mode = #tpu.pipeline_mode<synchronous>, transform_indices = @transform_2, window_bounds = array<i64: 128, 128>}, {pipeline_mode = #tpu.pipeline_mode<synchronous>, transform_indices = @transform_3, window_bounds = array<i64: 1, 128>}, {pipeline_mode = #tpu.pipeline_mode<synchronous>, transform_indices = @transform_4, window_bounds = array<i64: 128, 128>}, {pipeline_mode = #tpu.pipeline_mode<synchronous>, transform_indices = @transform_5, window_bounds = array<i64: 1, 128>}, {pipeline_mode = #tpu.pipeline_mode<synchronous>, transform_indices = @transform_6, window_bounds = array<i64: 1, 128>}, {pipeline_mode = #tpu.pipeline_mode<synchronous>, transform_indices = @transform_7, window_bounds = array<i64: 1, 128>}, {transform_indices = @transform_8, window_bounds = array<i64: 512, 128>}]} {
    %get3A = arith.constant 0 : index
    %get3A_0 = arith.constant 0 : index
    %get3A_1 = vector.load %arg1[%get3A, %get3A_0] : memref<512x128xf32, #tpu.memory_space<vmem>>, vector<512x128xf32>
    %get3A_2 = arith.constant 0 : index
    %get3A_3 = arith.constant 0 : index
    %get3A_4 = arith.constant 0 : index
    %get3A_5 = vector.load %arg2[%get3A_2, %get3A_3, %get3A_4] : memref<2x512x128xf32, #tpu.memory_space<vmem>>, vector<1x512x128xf32>
    %get3A_6 = vector.shape_cast %get3A_5 : vector<1x512x128xf32> to vector<512x128xf32>
    %add3A = arith.addf %get3A_1, %get3A_6 : vector<512x128xf32>
    %get3A_7 = arith.constant 1 : index
    %get3A_8 = arith.constant 0 : index
    %get3A_9 = arith.constant 0 : index
    %get3A_10 = vector.load %arg2[%get3A_7, %get3A_8, %get3A_9] : memref<2x512x128xf32, #tpu.memory_space<vmem>>, vector<1x512x128xf32>
    %get3A_11 = vector.shape_cast %get3A_10 : vector<1x512x128xf32> to vector<512x128xf32>
    %add3A_12 = arith.addf %add3A, %get3A_11 : vector<512x128xf32>
    %get3A_13 = arith.constant 0 : index
    %get3A_14 = arith.constant 0 : index
    %get3A_15 = vector.load %arg3[%get3A_13, %get3A_14] : memref<128x128xf32, #tpu.memory_space<vmem>>, vector<128x128xf32>
    %dot_general3A = arith.constant dense<0.000000e+00> : vector<512x128xf32>
    %dot_general3A_16 = tpu.matmul %add3A_12, %get3A_15, %dot_general3A {dimension_numbers = #tpu.dot_dimension_numbers<[1], [0], [0], [1], [0, 0, 1, 1], [], []>, transpose_lhs_hint = false} : vector<512x128xf32>, vector<128x128xf32>, vector<512x128xf32> -> vector<512x128xf32>
    %get3A_17 = arith.constant 0 : index
    %get3A_18 = arith.constant 0 : index
    %get3A_19 = vector.load %arg4[%get3A_17, %get3A_18] : memref<1x128xf32, #tpu.memory_space<vmem>>, vector<1x128xf32>
    %add3A_20 = vector.broadcast %get3A_19 : vector<1x128xf32> to vector<512x128xf32>
    %add3A_21 = arith.addf %dot_general3A_16, %add3A_20 : vector<512x128xf32>
    %max3A = arith.constant 0.000000e+00 : f32
    %max3A_22 = vector.broadcast %max3A : f32 to vector<512x128xf32>
    %max3A_23 = arith.maximumf %add3A_21, %max3A_22 : vector<512x128xf32>
    %get3A_24 = arith.constant 0 : index
    %get3A_25 = arith.constant 0 : index
    %get3A_26 = vector.load %arg5[%get3A_24, %get3A_25] : memref<128x128xf32, #tpu.memory_space<vmem>>, vector<128x128xf32>
    %dot_general3A_27 = arith.constant dense<0.000000e+00> : vector<512x128xf32>
    %dot_general3A_28 = tpu.matmul %max3A_23, %get3A_26, %dot_general3A_27 {dimension_numbers = #tpu.dot_dimension_numbers<[1], [0], [0], [1], [0, 0, 1, 1], [], []>, transpose_lhs_hint = false} : vector<512x128xf32>, vector<128x128xf32>, vector<512x128xf32> -> vector<512x128xf32>
    %get3A_29 = arith.constant 0 : index
    %get3A_30 = arith.constant 0 : index
    %get3A_31 = vector.load %arg6[%get3A_29, %get3A_30] : memref<1x128xf32, #tpu.memory_space<vmem>>, vector<1x128xf32>
    %add3A_32 = vector.broadcast %get3A_31 : vector<1x128xf32> to vector<512x128xf32>
    %add3A_33 = arith.addf %dot_general3A_28, %add3A_32 : vector<512x128xf32>
    %max3A_34 = arith.constant 0.000000e+00 : f32
    %max3A_35 = vector.broadcast %max3A_34 : f32 to vector<512x128xf32>
    %max3A_36 = arith.maximumf %add3A_33, %max3A_35 : vector<512x128xf32>
    %get3A_37 = arith.constant 0 : index
    %get3A_38 = arith.constant 0 : index
    %get3A_39 = vector.load %arg7[%get3A_37, %get3A_38] : memref<1x128xf32, #tpu.memory_space<vmem>>, vector<1x128xf32>
    %mul3A = arith.constant 0.999994993 : f32
    %mul3A_40 = vector.broadcast %mul3A : f32 to vector<1x128xf32>
    %mul3A_41 = arith.mulf %get3A_39, %mul3A_40 : vector<1x128xf32>
    %mul3A_42 = vector.broadcast %mul3A_41 : vector<1x128xf32> to vector<512x128xf32>
    %mul3A_43 = arith.mulf %max3A_36, %mul3A_42 : vector<512x128xf32>
    %get3A_44 = arith.constant 0 : index
    %get3A_45 = arith.constant 0 : index
    %get3A_46 = vector.load %arg8[%get3A_44, %get3A_45] : memref<1x128xf32, #tpu.memory_space<vmem>>, vector<1x128xf32>
    %add3A_47 = vector.broadcast %get3A_46 : vector<1x128xf32> to vector<512x128xf32>
    %add3A_48 = arith.addf %mul3A_43, %add3A_47 : vector<512x128xf32>
    %swap3A = arith.constant 0 : index
    %swap3A_49 = arith.constant 0 : index
    %swap3A_50 = vector.load %arg9[%swap3A, %swap3A_49] : memref<512x128xf32, #tpu.memory_space<vmem>>, vector<512x128xf32>
    tpu.vector_store %arg9[%swap3A, %swap3A_49], %add3A_48 {strides = array<i32>} : memref<512x128xf32, #tpu.memory_space<vmem>>, vector<512x128xf32>,
    return
  }
  func.func @transform_0(%arg0: i32) -> (i32, i32) {
    %c0_i32 = arith.constant 0 : i32
    %c0_i32_0 = arith.constant 0 : i32
    return %arg0, %c0_i32 : i32, i32
  }
  func.func @transform_1(%arg0: i32) -> (i32, i32, i32) {
    %c0_i32 = arith.constant 0 : i32
    %c0_i32_0 = arith.constant 0 : i32
    %c0_i32_1 = arith.constant 0 : i32
    return %c0_i32, %arg0, %c0_i32_0 : i32, i32, i32
  }
  func.func @transform_2(%arg0: i32) -> (i32, i32) {
    %c0_i32 = arith.constant 0 : i32
    %c0_i32_0 = arith.constant 0 : i32
    %c0_i32_1 = arith.constant 0 : i32
    return %c0_i32, %c0_i32_0 : i32, i32
  }
  func.func @transform_3(%arg0: i32) -> (i32, i32) {
    %c0_i32 = arith.constant 0 : i32
    %c0_i32_0 = arith.constant 0 : i32
    %c0_i32_1 = arith.constant 0 : i32
    return %c0_i32, %c0_i32_0 : i32, i32
  }
  func.func @transform_4(%arg0: i32) -> (i32, i32) {
    %c0_i32 = arith.constant 0 : i32
    %c0_i32_0 = arith.constant 0 : i32
    %c0_i32_1 = arith.constant 0 : i32
    return %c0_i32, %c0_i32_0 : i32, i32
  }
  func.func @transform_5(%arg0: i32) -> (i32, i32) {
    %c0_i32 = arith.constant 0 : i32
    %c0_i32_0 = arith.constant 0 : i32
    %c0_i32_1 = arith.constant 0 : i32
    return %c0_i32, %c0_i32_0 : i32, i32
  }
  func.func @transform_6(%arg0: i32) -> (i32, i32) {
    %c0_i32 = arith.constant 0 : i32
    %c0_i32_0 = arith.constant 0 : i32
    %c0_i32_1 = arith.constant 0 : i32
    return %c0_i32, %c0_i32_0 : i32, i32
  }
  func.func @transform_7(%arg0: i32) -> (i32, i32) {
    %c0_i32 = arith.constant 0 : i32
    %c0_i32_0 = arith.constant 0 : i32
    %c0_i32_1 = arith.constant 0 : i32
    return %c0_i32, %c0_i32_0 : i32, i32
  }
  func.func @transform_8(%arg0: i32) -> (i32, i32) {
    %c0_i32 = arith.constant 0 : i32
    %c0_i32_0 = arith.constant 0 : i32
    return %arg0, %c0_i32 : i32, i32
  }
}

module attributes {stable_mosaic.version = 14 : i64} {
  func.func @body(%arg0: i32, %arg1: memref<512x128xf32, #tpu.memory_space<vmem>>, %arg2: memref<2x512x128xf32, #tpu.memory_space<vmem>>, %arg3: memref<128x256xf32, #tpu.memory_space<vmem>>, %arg4: memref<1x256xf32, #tpu.memory_space<vmem>>, %arg5: memref<256x256xf32, #tpu.memory_space<vmem>>, %arg6: memref<1x256xf32, #tpu.memory_space<vmem>>, %arg7: memref<1x256xf32, #tpu.memory_space<vmem>>, %arg8: memref<1x256xf32, #tpu.memory_space<vmem>>, %arg9: memref<2x512x128xf32, #tpu.memory_space<vmem>>) attributes {dimension_semantics = [#tpu.dimension_semantics<arbitrary>], iteration_bounds = array<i64: 20>, scalar_prefetch = 0 : i64, scratch_operands = 0 : i64, tpu.core_type = #tpu.core_type<tc>, window_params = [{transform_indices = @transform_0, window_bounds = array<i64: 512, 128>}, {transform_indices = @transform_1, window_bounds = array<i64: 2, 512, 128>}, {pipeline_mode = #tpu.pipeline_mode<synchronous>, transform_indices = @transform_2, window_bounds = array<i64: 128, 256>}, {pipeline_mode = #tpu.pipeline_mode<synchronous>, transform_indices = @transform_3, window_bounds = array<i64: 1, 256>}, {pipeline_mode = #tpu.pipeline_mode<synchronous>, transform_indices = @transform_4, window_bounds = array<i64: 256, 256>}, {pipeline_mode = #tpu.pipeline_mode<synchronous>, transform_indices = @transform_5, window_bounds = array<i64: 1, 256>}, {pipeline_mode = #tpu.pipeline_mode<synchronous>, transform_indices = @transform_6, window_bounds = array<i64: 1, 256>}, {pipeline_mode = #tpu.pipeline_mode<synchronous>, transform_indices = @transform_7, window_bounds = array<i64: 1, 256>}, {transform_indices = @transform_8, window_bounds = array<i64: 2, 512, 128>}]} {
    %get3A = arith.constant 0 : index
    %get3A_0 = arith.constant 0 : index
    %get3A_1 = vector.load %arg1[%get3A, %get3A_0] : memref<512x128xf32, #tpu.memory_space<vmem>>, vector<512x128xf32>
    %get3A_2 = arith.constant 0 : index
    %get3A_3 = arith.constant 0 : index
    %get3A_4 = arith.constant 0 : index
    %get3A_5 = vector.load %arg2[%get3A_2, %get3A_3, %get3A_4] : memref<2x512x128xf32, #tpu.memory_space<vmem>>, vector<1x512x128xf32>
    %get3A_6 = vector.shape_cast %get3A_5 : vector<1x512x128xf32> to vector<512x128xf32>
    %add3A = arith.addf %get3A_1, %get3A_6 : vector<512x128xf32>
    %get3A_7 = arith.constant 1 : index
    %get3A_8 = arith.constant 0 : index
    %get3A_9 = arith.constant 0 : index
    %get3A_10 = vector.load %arg2[%get3A_7, %get3A_8, %get3A_9] : memref<2x512x128xf32, #tpu.memory_space<vmem>>, vector<1x512x128xf32>
    %get3A_11 = vector.shape_cast %get3A_10 : vector<1x512x128xf32> to vector<512x128xf32>
    %add3A_12 = arith.addf %add3A, %get3A_11 : vector<512x128xf32>
    %get3A_13 = arith.constant 0 : index
    %get3A_14 = arith.constant 0 : index
    %get3A_15 = vector.load %arg3[%get3A_13, %get3A_14] : memref<128x256xf32, #tpu.memory_space<vmem>>, vector<128x256xf32>
    %dot_general3A = arith.constant dense<0.000000e+00> : vector<512x256xf32>
    %dot_general3A_16 = tpu.matmul %add3A_12, %get3A_15, %dot_general3A {dimension_numbers = #tpu.dot_dimension_numbers<[1], [0], [0], [1], [0, 0, 1, 1], [], []>, transpose_lhs_hint = false} : vector<512x128xf32>, vector<128x256xf32>, vector<512x256xf32> -> vector<512x256xf32>
    %get3A_17 = arith.constant 0 : index
    %get3A_18 = arith.constant 0 : index
    %get3A_19 = vector.load %arg4[%get3A_17, %get3A_18] : memref<1x256xf32, #tpu.memory_space<vmem>>, vector<1x256xf32>
    %add3A_20 = vector.broadcast %get3A_19 : vector<1x256xf32> to vector<512x256xf32>
    %add3A_21 = arith.addf %dot_general3A_16, %add3A_20 : vector<512x256xf32>
    %max3A = arith.constant 0.000000e+00 : f32
    %max3A_22 = vector.broadcast %max3A : f32 to vector<512x256xf32>
    %max3A_23 = arith.maximumf %add3A_21, %max3A_22 : vector<512x256xf32>
    %get3A_24 = arith.constant 0 : index
    %get3A_25 = arith.constant 0 : index
    %get3A_26 = vector.load %arg5[%get3A_24, %get3A_25] : memref<256x256xf32, #tpu.memory_space<vmem>>, vector<256x256xf32>
    %dot_general3A_27 = arith.constant dense<0.000000e+00> : vector<512x256xf32>
    %dot_general3A_28 = tpu.matmul %max3A_23, %get3A_26, %dot_general3A_27 {dimension_numbers = #tpu.dot_dimension_numbers<[1], [0], [0], [1], [0, 0, 1, 1], [], []>, transpose_lhs_hint = false} : vector<512x256xf32>, vector<256x256xf32>, vector<512x256xf32> -> vector<512x256xf32>
    %get3A_29 = arith.constant 0 : index
    %get3A_30 = arith.constant 0 : index
    %get3A_31 = vector.load %arg6[%get3A_29, %get3A_30] : memref<1x256xf32, #tpu.memory_space<vmem>>, vector<1x256xf32>
    %add3A_32 = vector.broadcast %get3A_31 : vector<1x256xf32> to vector<512x256xf32>
    %add3A_33 = arith.addf %dot_general3A_28, %add3A_32 : vector<512x256xf32>
    %max3A_34 = arith.constant 0.000000e+00 : f32
    %max3A_35 = vector.broadcast %max3A_34 : f32 to vector<512x256xf32>
    %max3A_36 = arith.maximumf %add3A_33, %max3A_35 : vector<512x256xf32>
    %get3A_37 = arith.constant 0 : index
    %get3A_38 = arith.constant 0 : index
    %get3A_39 = vector.load %arg7[%get3A_37, %get3A_38] : memref<1x256xf32, #tpu.memory_space<vmem>>, vector<1x256xf32>
    %mul3A = arith.constant 0.999994993 : f32
    %mul3A_40 = vector.broadcast %mul3A : f32 to vector<1x256xf32>
    %mul3A_41 = arith.mulf %get3A_39, %mul3A_40 : vector<1x256xf32>
    %mul3A_42 = vector.broadcast %mul3A_41 : vector<1x256xf32> to vector<512x256xf32>
    %mul3A_43 = arith.mulf %max3A_36, %mul3A_42 : vector<512x256xf32>
    %get3A_44 = arith.constant 0 : index
    %get3A_45 = arith.constant 0 : index
    %get3A_46 = vector.load %arg8[%get3A_44, %get3A_45] : memref<1x256xf32, #tpu.memory_space<vmem>>, vector<1x256xf32>
    %add3A_47 = vector.broadcast %get3A_46 : vector<1x256xf32> to vector<512x256xf32>
    %add3A_48 = arith.addf %mul3A_43, %add3A_47 : vector<512x256xf32>
    %slice3A = vector.extract_strided_slice %add3A_48 {offsets = [0, 0], sizes = [512, 128], strides = [1, 1]} : vector<512x256xf32> to vector<512x128xf32>
    %swap3A = arith.constant 0 : index
    %swap3A_49 = arith.constant 0 : index
    %swap3A_50 = arith.constant 0 : index
    %swap3A_51 = vector.load %arg9[%swap3A, %swap3A_49, %swap3A_50] : memref<2x512x128xf32, #tpu.memory_space<vmem>>, vector<1x512x128xf32>
    %swap3A_52 = vector.shape_cast %swap3A_51 : vector<1x512x128xf32> to vector<512x128xf32>
    %swap3A_53 = vector.shape_cast %slice3A : vector<512x128xf32> to vector<1x512x128xf32>
    tpu.vector_store %arg9[%swap3A, %swap3A_49, %swap3A_50], %swap3A_53 {strides = array<i32>} : memref<2x512x128xf32, #tpu.memory_space<vmem>>, vector<1x512x128xf32>,
    %slice3A_54 = vector.extract_strided_slice %add3A_48 {offsets = [0, 128], sizes = [512, 128], strides = [1, 1]} : vector<512x256xf32> to vector<512x128xf32>
    %swap3A_55 = arith.constant 1 : index
    %swap3A_56 = arith.constant 0 : index
    %swap3A_57 = arith.constant 0 : index
    %swap3A_58 = vector.load %arg9[%swap3A_55, %swap3A_56, %swap3A_57] : memref<2x512x128xf32, #tpu.memory_space<vmem>>, vector<1x512x128xf32>
    %swap3A_59 = vector.shape_cast %swap3A_58 : vector<1x512x128xf32> to vector<512x128xf32>
    %swap3A_60 = vector.shape_cast %slice3A_54 : vector<512x128xf32> to vector<1x512x128xf32>
    tpu.vector_store %arg9[%swap3A_55, %swap3A_56, %swap3A_57], %swap3A_60 {strides = array<i32>} : memref<2x512x128xf32, #tpu.memory_space<vmem>>, vector<1x512x128xf32>,
    return
  }
  func.func @transform_0(%arg0: i32) -> (i32, i32) {
    %c0_i32 = arith.constant 0 : i32
    %c0_i32_0 = arith.constant 0 : i32
    return %arg0, %c0_i32 : i32, i32
  }
  func.func @transform_1(%arg0: i32) -> (i32, i32, i32) {
    %c0_i32 = arith.constant 0 : i32
    %c0_i32_0 = arith.constant 0 : i32
    %c0_i32_1 = arith.constant 0 : i32
    return %c0_i32, %arg0, %c0_i32_0 : i32, i32, i32
  }
  func.func @transform_2(%arg0: i32) -> (i32, i32) {
    %c0_i32 = arith.constant 0 : i32
    %c0_i32_0 = arith.constant 0 : i32
    %c0_i32_1 = arith.constant 0 : i32
    return %c0_i32, %c0_i32_0 : i32, i32
  }
  func.func @transform_3(%arg0: i32) -> (i32, i32) {
    %c0_i32 = arith.constant 0 : i32
    %c0_i32_0 = arith.constant 0 : i32
    %c0_i32_1 = arith.constant 0 : i32
    return %c0_i32, %c0_i32_0 : i32, i32
  }
  func.func @transform_4(%arg0: i32) -> (i32, i32) {
    %c0_i32 = arith.constant 0 : i32
    %c0_i32_0 = arith.constant 0 : i32
    %c0_i32_1 = arith.constant 0 : i32
    return %c0_i32, %c0_i32_0 : i32, i32
  }
  func.func @transform_5(%arg0: i32) -> (i32, i32) {
    %c0_i32 = arith.constant 0 : i32
    %c0_i32_0 = arith.constant 0 : i32
    %c0_i32_1 = arith.constant 0 : i32
    return %c0_i32, %c0_i32_0 : i32, i32
  }
  func.func @transform_6(%arg0: i32) -> (i32, i32) {
    %c0_i32 = arith.constant 0 : i32
    %c0_i32_0 = arith.constant 0 : i32
    %c0_i32_1 = arith.constant 0 : i32
    return %c0_i32, %c0_i32_0 : i32, i32
  }
  func.func @transform_7(%arg0: i32) -> (i32, i32) {
    %c0_i32 = arith.constant 0 : i32
    %c0_i32_0 = arith.constant 0 : i32
    %c0_i32_1 = arith.constant 0 : i32
    return %c0_i32, %c0_i32_0 : i32, i32
  }
  func.func @transform_8(%arg0: i32) -> (i32, i32, i32) {
    %c0_i32 = arith.constant 0 : i32
    %c0_i32_0 = arith.constant 0 : i32
    %c0_i32_1 = arith.constant 0 : i32
    return %c0_i32, %arg0, %c0_i32_0 : i32, i32, i32
  }
}

module attributes {stable_mosaic.version = 14 : i64} {
  func.func @body(%arg0: i32, %arg1: memref<1x1x512xi32, #tpu.memory_space<vmem>>, %arg2: memref<512x256xf32, #tpu.memory_space<vmem>>, %arg3: memref<64x256xf32, #tpu.memory_space<vmem>>, %arg4: memref<64x128xf32, #tpu.memory_space<vmem>>) attributes {dimension_semantics = [#tpu.dimension_semantics<arbitrary>], iteration_bounds = array<i64: 20>, scalar_prefetch = 0 : i64, scratch_operands = 0 : i64, tpu.core_type = #tpu.core_type<tc>, window_params = [{transform_indices = @transform_0, window_bounds = array<i64: 1, 1, 512>}, {transform_indices = @transform_1, window_bounds = array<i64: 512, 256>}, {pipeline_mode = #tpu.pipeline_mode<synchronous>, transform_indices = @transform_2, window_bounds = array<i64: 64, 256>}, {pipeline_mode = #tpu.pipeline_mode<synchronous>, transform_indices = @transform_3, window_bounds = array<i64: 64, 128>}]} {
    %eq3A = arith.constant 0 : i32
    %eq3A_0 = arith.cmpi eq, %arg0, %eq3A : i32
    %convert_element_type3A = arith.extui %eq3A_0 : i1 to i32
    %cond3A = arith.constant 0 : i32
    %cond3A_1 = arith.cmpi ne, %convert_element_type3A, %cond3A : i32
    scf.if %cond3A_1 {
      %broadcast_in_dim3A_29 = arith.constant 0.000000e+00 : f32
      %broadcast_in_dim3A_30 = vector.broadcast %broadcast_in_dim3A_29 : f32 to vector<64x256xf32>
      %swap3A_31 = arith.constant 0 : index
      %swap3A_32 = arith.constant 0 : index
      %swap3A_33 = vector.load %arg3[%swap3A_31, %swap3A_32] : memref<64x256xf32, #tpu.memory_space<vmem>>, vector<64x256xf32>
      tpu.vector_store %arg3[%swap3A_31, %swap3A_32], %broadcast_in_dim3A_30 {strides = array<i32>} : memref<64x256xf32, #tpu.memory_space<vmem>>, vector<64x256xf32>,
      %broadcast_in_dim3A_34 = arith.constant 0.000000e+00 : f32
      %broadcast_in_dim3A_35 = vector.broadcast %broadcast_in_dim3A_34 : f32 to vector<64x128xf32>
      %swap3A_36 = arith.constant 0 : index
      %swap3A_37 = arith.constant 0 : index
      %swap3A_38 = vector.load %arg4[%swap3A_36, %swap3A_37] : memref<64x128xf32, #tpu.memory_space<vmem>>, vector<64x128xf32>
      tpu.vector_store %arg4[%swap3A_36, %swap3A_37], %broadcast_in_dim3A_35 {strides = array<i32>} : memref<64x128xf32, #tpu.memory_space<vmem>>, vector<64x128xf32>,
    } else {
    }
    %get3A = arith.constant 0 : index
    %get3A_2 = arith.constant 0 : index
    %get3A_3 = arith.constant 0 : index
    %get3A_4 = vector.load %arg1[%get3A, %get3A_2, %get3A_3] : memref<1x1x512xi32, #tpu.memory_space<vmem>>, vector<1x1x512xi32>
    %get3A_5 = vector.shape_cast %get3A_4 : vector<1x1x512xi32> to vector<1x512xi32>
    %iota3A = tpu.iota {dimensions = array<i32: 0>} : vector<64x512xi32>
    %eq3A_6 = vector.broadcast %get3A_5 : vector<1x512xi32> to vector<64x512xi32>
    %eq3A_7 = arith.cmpi eq, %iota3A, %eq3A_6 : vector<64x512xi32>
    %convert_element_type3A_8 = arith.extui %eq3A_7 : vector<64x512xi1> to vector<64x512xi32>
    %convert_element_type3A_9 = arith.sitofp %convert_element_type3A_8 : vector<64x512xi32> to vector<64x512xf32>
    %get3A_10 = arith.constant 0 : index
    %get3A_11 = arith.constant 0 : index
    %get3A_12 = vector.load %arg3[%get3A_10, %get3A_11] : memref<64x256xf32, #tpu.memory_space<vmem>>, vector<64x256xf32>
    %get3A_13 = arith.constant 0 : index
    %get3A_14 = arith.constant 0 : index
    %get3A_15 = vector.load %arg2[%get3A_13, %get3A_14] : memref<512x256xf32, #tpu.memory_space<vmem>>, vector<512x256xf32>
    %dot_general3A = arith.constant dense<0.000000e+00> : vector<64x256xf32>
    %dot_general3A_16 = tpu.matmul %convert_element_type3A_9, %get3A_15, %dot_general3A {dimension_numbers = #tpu.dot_dimension_numbers<[1], [0], [0], [1], [0, 0, 1, 1], [], []>, transpose_lhs_hint = false} : vector<64x512xf32>, vector<512x256xf32>, vector<64x256xf32> -> vector<64x256xf32>
    %add3A = arith.addf %get3A_12, %dot_general3A_16 : vector<64x256xf32>
    %swap3A = arith.constant 0 : index
    %swap3A_17 = arith.constant 0 : index
    %swap3A_18 = vector.load %arg3[%swap3A, %swap3A_17] : memref<64x256xf32, #tpu.memory_space<vmem>>, vector<64x256xf32>
    tpu.vector_store %arg3[%swap3A, %swap3A_17], %add3A {strides = array<i32>} : memref<64x256xf32, #tpu.memory_space<vmem>>, vector<64x256xf32>,
    %reduce_sum3A = arith.constant dense<0.000000e+00> : vector<64xf32>
    %reduce_sum3A_19 = vector.multi_reduction <add>, %convert_element_type3A_9, %reduce_sum3A [1] : vector<64x512xf32> to vector<64xf32>
    %broadcast_in_dim3A = vector.shape_cast %reduce_sum3A_19 : vector<64xf32> to vector<64x1xf32>
    %get3A_20 = arith.constant 0 : index
    %get3A_21 = arith.constant 0 : index
    %get3A_22 = vector.load %arg4[%get3A_20, %get3A_21] : memref<64x128xf32, #tpu.memory_space<vmem>>, vector<64x128xf32>
    %broadcast_in_dim3A_23 = vector.shape_cast %broadcast_in_dim3A : vector<64x1xf32> to vector<64x1xf32>
    %broadcast_in_dim3A_24 = vector.broadcast %broadcast_in_dim3A_23 : vector<64x1xf32> to vector<64x128xf32>
    %add3A_25 = arith.addf %get3A_22, %broadcast_in_dim3A_24 : vector<64x128xf32>
    %swap3A_26 = arith.constant 0 : index
    %swap3A_27 = arith.constant 0 : index
    %swap3A_28 = vector.load %arg4[%swap3A_26, %swap3A_27] : memref<64x128xf32, #tpu.memory_space<vmem>>, vector<64x128xf32>
    tpu.vector_store %arg4[%swap3A_26, %swap3A_27], %add3A_25 {strides = array<i32>} : memref<64x128xf32, #tpu.memory_space<vmem>>, vector<64x128xf32>,
    return
  }
  func.func @transform_0(%arg0: i32) -> (i32, i32, i32) {
    %c0_i32 = arith.constant 0 : i32
    %c0_i32_0 = arith.constant 0 : i32
    %c0_i32_1 = arith.constant 0 : i32
    return %arg0, %c0_i32, %c0_i32_0 : i32, i32, i32
  }
  func.func @transform_1(%arg0: i32) -> (i32, i32) {
    %c0_i32 = arith.constant 0 : i32
    %c0_i32_0 = arith.constant 0 : i32
    return %arg0, %c0_i32 : i32, i32
  }
  func.func @transform_2(%arg0: i32) -> (i32, i32) {
    %c0_i32 = arith.constant 0 : i32
    %c0_i32_0 = arith.constant 0 : i32
    %c0_i32_1 = arith.constant 0 : i32
    return %c0_i32, %c0_i32_0 : i32, i32
  }
  func.func @transform_3(%arg0: i32) -> (i32, i32) {
    %c0_i32 = arith.constant 0 : i32
    %c0_i32_0 = arith.constant 0 : i32
    %c0_i32_1 = arith.constant 0 : i32
    return %c0_i32, %c0_i32_0 : i32, i32
  }
}

module attributes {stable_mosaic.version = 14 : i64} {
  func.func @body(%arg0: memref<64x256xf32, #tpu.memory_space<vmem>>, %arg1: memref<64x128xf32, #tpu.memory_space<vmem>>, %arg2: memref<64x128xf32, #tpu.memory_space<vmem>>, %arg3: memref<256x128xf32, #tpu.memory_space<vmem>>, %arg4: memref<128x128xf32, #tpu.memory_space<vmem>>, %arg5: memref<1x128xf32, #tpu.memory_space<vmem>>, %arg6: memref<128x128xf32, #tpu.memory_space<vmem>>, %arg7: memref<1x128xf32, #tpu.memory_space<vmem>>, %arg8: memref<128x128xf32, #tpu.memory_space<vmem>>, %arg9: memref<1x128xf32, #tpu.memory_space<vmem>>, %arg10: memref<64x128xf32, #tpu.memory_space<vmem>>) attributes {dimension_semantics = [], scalar_prefetch = 0 : i64, scratch_operands = 0 : i64, tpu.core_type = #tpu.core_type<tc>} {
    %get3A = arith.constant 0 : index
    %get3A_0 = arith.constant 0 : index
    %get3A_1 = vector.load %arg1[%get3A, %get3A_0] : memref<64x128xf32, #tpu.memory_space<vmem>>, vector<64x1xf32>
    %max3A = arith.constant 1.000000e+00 : f32
    %max3A_2 = vector.broadcast %max3A : f32 to vector<64x1xf32>
    %max3A_3 = arith.maximumf %get3A_1, %max3A_2 : vector<64x1xf32>
    %get3A_4 = arith.constant 0 : index
    %get3A_5 = arith.constant 0 : index
    %get3A_6 = vector.load %arg0[%get3A_4, %get3A_5] : memref<64x256xf32, #tpu.memory_space<vmem>>, vector<64x256xf32>
    %div3A = vector.broadcast %max3A_3 : vector<64x1xf32> to vector<64x256xf32>
    %div3A_7 = arith.divf %get3A_6, %div3A : vector<64x256xf32>
    %get3A_8 = arith.constant 0 : index
    %get3A_9 = arith.constant 0 : index
    %get3A_10 = vector.load %arg3[%get3A_8, %get3A_9] : memref<256x128xf32, #tpu.memory_space<vmem>>, vector<256x128xf32>
    %dot_general3A = arith.constant dense<0.000000e+00> : vector<64x128xf32>
    %dot_general3A_11 = tpu.matmul %div3A_7, %get3A_10, %dot_general3A {dimension_numbers = #tpu.dot_dimension_numbers<[1], [0], [0], [1], [0, 0, 1, 1], [], []>, transpose_lhs_hint = false} : vector<64x256xf32>, vector<256x128xf32>, vector<64x128xf32> -> vector<64x128xf32>
    %get3A_12 = arith.constant 0 : index
    %get3A_13 = arith.constant 0 : index
    %get3A_14 = vector.load %arg2[%get3A_12, %get3A_13] : memref<64x128xf32, #tpu.memory_space<vmem>>, vector<64x128xf32>
    %get3A_15 = arith.constant 0 : index
    %get3A_16 = arith.constant 0 : index
    %get3A_17 = vector.load %arg4[%get3A_15, %get3A_16] : memref<128x128xf32, #tpu.memory_space<vmem>>, vector<128x128xf32>
    %dot_general3A_18 = arith.constant dense<0.000000e+00> : vector<64x128xf32>
    %dot_general3A_19 = tpu.matmul %get3A_14, %get3A_17, %dot_general3A_18 {dimension_numbers = #tpu.dot_dimension_numbers<[1], [0], [0], [1], [0, 0, 1, 1], [], []>, transpose_lhs_hint = false} : vector<64x128xf32>, vector<128x128xf32>, vector<64x128xf32> -> vector<64x128xf32>
    %add3A = arith.addf %dot_general3A_11, %dot_general3A_19 : vector<64x128xf32>
    %get3A_20 = arith.constant 0 : index
    %get3A_21 = arith.constant 0 : index
    %get3A_22 = vector.load %arg5[%get3A_20, %get3A_21] : memref<1x128xf32, #tpu.memory_space<vmem>>, vector<1x128xf32>
    %add3A_23 = vector.broadcast %get3A_22 : vector<1x128xf32> to vector<64x128xf32>
    %add3A_24 = arith.addf %add3A, %add3A_23 : vector<64x128xf32>
    %max3A_25 = arith.constant 0.000000e+00 : f32
    %max3A_26 = vector.broadcast %max3A_25 : f32 to vector<64x128xf32>
    %max3A_27 = arith.maximumf %add3A_24, %max3A_26 : vector<64x128xf32>
    %get3A_28 = arith.constant 0 : index
    %get3A_29 = arith.constant 0 : index
    %get3A_30 = vector.load %arg6[%get3A_28, %get3A_29] : memref<128x128xf32, #tpu.memory_space<vmem>>, vector<128x128xf32>
    %dot_general3A_31 = arith.constant dense<0.000000e+00> : vector<64x128xf32>
    %dot_general3A_32 = tpu.matmul %max3A_27, %get3A_30, %dot_general3A_31 {dimension_numbers = #tpu.dot_dimension_numbers<[1], [0], [0], [1], [0, 0, 1, 1], [], []>, transpose_lhs_hint = false} : vector<64x128xf32>, vector<128x128xf32>, vector<64x128xf32> -> vector<64x128xf32>
    %get3A_33 = arith.constant 0 : index
    %get3A_34 = arith.constant 0 : index
    %get3A_35 = vector.load %arg7[%get3A_33, %get3A_34] : memref<1x128xf32, #tpu.memory_space<vmem>>, vector<1x128xf32>
    %add3A_36 = vector.broadcast %get3A_35 : vector<1x128xf32> to vector<64x128xf32>
    %add3A_37 = arith.addf %dot_general3A_32, %add3A_36 : vector<64x128xf32>
    %max3A_38 = arith.constant 0.000000e+00 : f32
    %max3A_39 = vector.broadcast %max3A_38 : f32 to vector<64x128xf32>
    %max3A_40 = arith.maximumf %add3A_37, %max3A_39 : vector<64x128xf32>
    %get3A_41 = arith.constant 0 : index
    %get3A_42 = arith.constant 0 : index
    %get3A_43 = vector.load %arg8[%get3A_41, %get3A_42] : memref<128x128xf32, #tpu.memory_space<vmem>>, vector<128x128xf32>
    %dot_general3A_44 = arith.constant dense<0.000000e+00> : vector<64x128xf32>
    %dot_general3A_45 = tpu.matmul %max3A_40, %get3A_43, %dot_general3A_44 {dimension_numbers = #tpu.dot_dimension_numbers<[1], [0], [0], [1], [0, 0, 1, 1], [], []>, transpose_lhs_hint = false} : vector<64x128xf32>, vector<128x128xf32>, vector<64x128xf32> -> vector<64x128xf32>
    %get3A_46 = arith.constant 0 : index
    %get3A_47 = arith.constant 0 : index
    %get3A_48 = vector.load %arg9[%get3A_46, %get3A_47] : memref<1x128xf32, #tpu.memory_space<vmem>>, vector<1x128xf32>
    %add3A_49 = vector.broadcast %get3A_48 : vector<1x128xf32> to vector<64x128xf32>
    %add3A_50 = arith.addf %dot_general3A_45, %add3A_49 : vector<64x128xf32>
    %swap3A = arith.constant 0 : index
    %swap3A_51 = arith.constant 0 : index
    %swap3A_52 = vector.load %arg10[%swap3A, %swap3A_51] : memref<64x128xf32, #tpu.memory_space<vmem>>, vector<64x128xf32>
    tpu.vector_store %arg10[%swap3A, %swap3A_51], %add3A_50 {strides = array<i32>} : memref<64x128xf32, #tpu.memory_space<vmem>>, vector<64x128xf32>,
    return
  }
}

module attributes {stable_mosaic.version = 14 : i64} {
  func.func @body(%arg0: i32, %arg1: memref<2x512x128xf32, #tpu.memory_space<vmem>>, %arg2: memref<2x512x128xf32, #tpu.memory_space<vmem>>, %arg3: memref<2x512x128xf32, #tpu.memory_space<vmem>>, %arg4: memref<256x256xf32, #tpu.memory_space<vmem>>, %arg5: memref<1x256xf32, #tpu.memory_space<vmem>>, %arg6: memref<256x256xf32, #tpu.memory_space<vmem>>, %arg7: memref<1x256xf32, #tpu.memory_space<vmem>>, %arg8: memref<1x256xf32, #tpu.memory_space<vmem>>, %arg9: memref<1x256xf32, #tpu.memory_space<vmem>>, %arg10: memref<512x256xf32, #tpu.memory_space<vmem>>) attributes {dimension_semantics = [#tpu.dimension_semantics<arbitrary>], iteration_bounds = array<i64: 20>, scalar_prefetch = 0 : i64, scratch_operands = 0 : i64, tpu.core_type = #tpu.core_type<tc>, window_params = [{transform_indices = @transform_0, window_bounds = array<i64: 2, 512, 128>}, {transform_indices = @transform_1, window_bounds = array<i64: 2, 512, 128>}, {transform_indices = @transform_2, window_bounds = array<i64: 2, 512, 128>}, {pipeline_mode = #tpu.pipeline_mode<synchronous>, transform_indices = @transform_3, window_bounds = array<i64: 256, 256>}, {pipeline_mode = #tpu.pipeline_mode<synchronous>, transform_indices = @transform_4, window_bounds = array<i64: 1, 256>}, {pipeline_mode = #tpu.pipeline_mode<synchronous>, transform_indices = @transform_5, window_bounds = array<i64: 256, 256>}, {pipeline_mode = #tpu.pipeline_mode<synchronous>, transform_indices = @transform_6, window_bounds = array<i64: 1, 256>}, {pipeline_mode = #tpu.pipeline_mode<synchronous>, transform_indices = @transform_7, window_bounds = array<i64: 1, 256>}, {pipeline_mode = #tpu.pipeline_mode<synchronous>, transform_indices = @transform_8, window_bounds = array<i64: 1, 256>}, {transform_indices = @transform_9, window_bounds = array<i64: 512, 256>}]} {
    %get3A = arith.constant 0 : index
    %get3A_0 = arith.constant 0 : index
    %get3A_1 = arith.constant 0 : index
    %get3A_2 = vector.load %arg1[%get3A, %get3A_0, %get3A_1] : memref<2x512x128xf32, #tpu.memory_space<vmem>>, vector<1x512x128xf32>
    %get3A_3 = vector.shape_cast %get3A_2 : vector<1x512x128xf32> to vector<512x128xf32>
    %get3A_4 = arith.constant 0 : index
    %get3A_5 = arith.constant 0 : index
    %get3A_6 = arith.constant 0 : index
    %get3A_7 = vector.load %arg2[%get3A_4, %get3A_5, %get3A_6] : memref<2x512x128xf32, #tpu.memory_space<vmem>>, vector<1x512x128xf32>
    %get3A_8 = vector.shape_cast %get3A_7 : vector<1x512x128xf32> to vector<512x128xf32>
    %add3A = arith.addf %get3A_3, %get3A_8 : vector<512x128xf32>
    %get3A_9 = arith.constant 1 : index
    %get3A_10 = arith.constant 0 : index
    %get3A_11 = arith.constant 0 : index
    %get3A_12 = vector.load %arg2[%get3A_9, %get3A_10, %get3A_11] : memref<2x512x128xf32, #tpu.memory_space<vmem>>, vector<1x512x128xf32>
    %get3A_13 = vector.shape_cast %get3A_12 : vector<1x512x128xf32> to vector<512x128xf32>
    %add3A_14 = arith.addf %add3A, %get3A_13 : vector<512x128xf32>
    %get3A_15 = arith.constant 1 : index
    %get3A_16 = arith.constant 0 : index
    %get3A_17 = arith.constant 0 : index
    %get3A_18 = vector.load %arg1[%get3A_15, %get3A_16, %get3A_17] : memref<2x512x128xf32, #tpu.memory_space<vmem>>, vector<1x512x128xf32>
    %get3A_19 = vector.shape_cast %get3A_18 : vector<1x512x128xf32> to vector<512x128xf32>
    %get3A_20 = arith.constant 0 : index
    %get3A_21 = arith.constant 0 : index
    %get3A_22 = arith.constant 0 : index
    %get3A_23 = vector.load %arg3[%get3A_20, %get3A_21, %get3A_22] : memref<2x512x128xf32, #tpu.memory_space<vmem>>, vector<1x512x128xf32>
    %get3A_24 = vector.shape_cast %get3A_23 : vector<1x512x128xf32> to vector<512x128xf32>
    %add3A_25 = arith.addf %get3A_19, %get3A_24 : vector<512x128xf32>
    %get3A_26 = arith.constant 1 : index
    %get3A_27 = arith.constant 0 : index
    %get3A_28 = arith.constant 0 : index
    %get3A_29 = vector.load %arg3[%get3A_26, %get3A_27, %get3A_28] : memref<2x512x128xf32, #tpu.memory_space<vmem>>, vector<1x512x128xf32>
    %get3A_30 = vector.shape_cast %get3A_29 : vector<1x512x128xf32> to vector<512x128xf32>
    %add3A_31 = arith.addf %add3A_25, %get3A_30 : vector<512x128xf32>
    %concatenate3A = tpu.concatenate %add3A_14, %add3A_31 in 1 : vector<512x128xf32>, vector<512x128xf32> -> vector<512x256xf32>
    %get3A_32 = arith.constant 0 : index
    %get3A_33 = arith.constant 0 : index
    %get3A_34 = vector.load %arg4[%get3A_32, %get3A_33] : memref<256x256xf32, #tpu.memory_space<vmem>>, vector<256x256xf32>
    %dot_general3A = arith.constant dense<0.000000e+00> : vector<512x256xf32>
    %dot_general3A_35 = tpu.matmul %concatenate3A, %get3A_34, %dot_general3A {dimension_numbers = #tpu.dot_dimension_numbers<[1], [0], [0], [1], [0, 0, 1, 1], [], []>, transpose_lhs_hint = false} : vector<512x256xf32>, vector<256x256xf32>, vector<512x256xf32> -> vector<512x256xf32>
    %get3A_36 = arith.constant 0 : index
    %get3A_37 = arith.constant 0 : index
    %get3A_38 = vector.load %arg5[%get3A_36, %get3A_37] : memref<1x256xf32, #tpu.memory_space<vmem>>, vector<1x256xf32>
    %add3A_39 = vector.broadcast %get3A_38 : vector<1x256xf32> to vector<512x256xf32>
    %add3A_40 = arith.addf %dot_general3A_35, %add3A_39 : vector<512x256xf32>
    %max3A = arith.constant 0.000000e+00 : f32
    %max3A_41 = vector.broadcast %max3A : f32 to vector<512x256xf32>
    %max3A_42 = arith.maximumf %add3A_40, %max3A_41 : vector<512x256xf32>
    %get3A_43 = arith.constant 0 : index
    %get3A_44 = arith.constant 0 : index
    %get3A_45 = vector.load %arg6[%get3A_43, %get3A_44] : memref<256x256xf32, #tpu.memory_space<vmem>>, vector<256x256xf32>
    %dot_general3A_46 = arith.constant dense<0.000000e+00> : vector<512x256xf32>
    %dot_general3A_47 = tpu.matmul %max3A_42, %get3A_45, %dot_general3A_46 {dimension_numbers = #tpu.dot_dimension_numbers<[1], [0], [0], [1], [0, 0, 1, 1], [], []>, transpose_lhs_hint = false} : vector<512x256xf32>, vector<256x256xf32>, vector<512x256xf32> -> vector<512x256xf32>
    %get3A_48 = arith.constant 0 : index
    %get3A_49 = arith.constant 0 : index
    %get3A_50 = vector.load %arg7[%get3A_48, %get3A_49] : memref<1x256xf32, #tpu.memory_space<vmem>>, vector<1x256xf32>
    %add3A_51 = vector.broadcast %get3A_50 : vector<1x256xf32> to vector<512x256xf32>
    %add3A_52 = arith.addf %dot_general3A_47, %add3A_51 : vector<512x256xf32>
    %max3A_53 = arith.constant 0.000000e+00 : f32
    %max3A_54 = vector.broadcast %max3A_53 : f32 to vector<512x256xf32>
    %max3A_55 = arith.maximumf %add3A_52, %max3A_54 : vector<512x256xf32>
    %get3A_56 = arith.constant 0 : index
    %get3A_57 = arith.constant 0 : index
    %get3A_58 = vector.load %arg8[%get3A_56, %get3A_57] : memref<1x256xf32, #tpu.memory_space<vmem>>, vector<1x256xf32>
    %mul3A = arith.constant 0.999994993 : f32
    %mul3A_59 = vector.broadcast %mul3A : f32 to vector<1x256xf32>
    %mul3A_60 = arith.mulf %get3A_58, %mul3A_59 : vector<1x256xf32>
    %mul3A_61 = vector.broadcast %mul3A_60 : vector<1x256xf32> to vector<512x256xf32>
    %mul3A_62 = arith.mulf %max3A_55, %mul3A_61 : vector<512x256xf32>
    %get3A_63 = arith.constant 0 : index
    %get3A_64 = arith.constant 0 : index
    %get3A_65 = vector.load %arg9[%get3A_63, %get3A_64] : memref<1x256xf32, #tpu.memory_space<vmem>>, vector<1x256xf32>
    %add3A_66 = vector.broadcast %get3A_65 : vector<1x256xf32> to vector<512x256xf32>
    %add3A_67 = arith.addf %mul3A_62, %add3A_66 : vector<512x256xf32>
    %swap3A = arith.constant 0 : index
    %swap3A_68 = arith.constant 0 : index
    %swap3A_69 = vector.load %arg10[%swap3A, %swap3A_68] : memref<512x256xf32, #tpu.memory_space<vmem>>, vector<512x256xf32>
    tpu.vector_store %arg10[%swap3A, %swap3A_68], %add3A_67 {strides = array<i32>} : memref<512x256xf32, #tpu.memory_space<vmem>>, vector<512x256xf32>,
    return
  }
  func.func @transform_0(%arg0: i32) -> (i32, i32, i32) {
    %c0_i32 = arith.constant 0 : i32
    %c0_i32_0 = arith.constant 0 : i32
    %c0_i32_1 = arith.constant 0 : i32
    return %c0_i32, %arg0, %c0_i32_0 : i32, i32, i32
  }
  func.func @transform_1(%arg0: i32) -> (i32, i32, i32) {
    %c0_i32 = arith.constant 0 : i32
    %c0_i32_0 = arith.constant 0 : i32
    %c0_i32_1 = arith.constant 0 : i32
    return %c0_i32, %arg0, %c0_i32_0 : i32, i32, i32
  }
  func.func @transform_2(%arg0: i32) -> (i32, i32, i32) {
    %c0_i32 = arith.constant 0 : i32
    %c0_i32_0 = arith.constant 0 : i32
    %c0_i32_1 = arith.constant 0 : i32
    return %c0_i32, %arg0, %c0_i32_0 : i32, i32, i32
  }
  func.func @transform_3(%arg0: i32) -> (i32, i32) {
    %c0_i32 = arith.constant 0 : i32
    %c0_i32_0 = arith.constant 0 : i32
    %c0_i32_1 = arith.constant 0 : i32
    return %c0_i32, %c0_i32_0 : i32, i32
  }
  func.func @transform_4(%arg0: i32) -> (i32, i32) {
    %c0_i32 = arith.constant 0 : i32
    %c0_i32_0 = arith.constant 0 : i32
    %c0_i32_1 = arith.constant 0 : i32
    return %c0_i32, %c0_i32_0 : i32, i32
  }
  func.func @transform_5(%arg0: i32) -> (i32, i32) {
    %c0_i32 = arith.constant 0 : i32
    %c0_i32_0 = arith.constant 0 : i32
    %c0_i32_1 = arith.constant 0 : i32
    return %c0_i32, %c0_i32_0 : i32, i32
  }
  func.func @transform_6(%arg0: i32) -> (i32, i32) {
    %c0_i32 = arith.constant 0 : i32
    %c0_i32_0 = arith.constant 0 : i32
    %c0_i32_1 = arith.constant 0 : i32
    return %c0_i32, %c0_i32_0 : i32, i32
  }
  func.func @transform_7(%arg0: i32) -> (i32, i32) {
    %c0_i32 = arith.constant 0 : i32
    %c0_i32_0 = arith.constant 0 : i32
    %c0_i32_1 = arith.constant 0 : i32
    return %c0_i32, %c0_i32_0 : i32, i32
  }
  func.func @transform_8(%arg0: i32) -> (i32, i32) {
    %c0_i32 = arith.constant 0 : i32
    %c0_i32_0 = arith.constant 0 : i32
    %c0_i32_1 = arith.constant 0 : i32
    return %c0_i32, %c0_i32_0 : i32, i32
  }
  func.func @transform_9(%arg0: i32) -> (i32, i32) {
    %c0_i32 = arith.constant 0 : i32
    %c0_i32_0 = arith.constant 0 : i32
    return %arg0, %c0_i32 : i32, i32
  }
}

</mosaic_0001>

<sc_bundles>
// kernel: kernel.11.cloned.1.call-start
scs
__scs_entry_jumppad:
0x0: {  	(pc) =	sbr.rel $0x88, $3  }
0x1: {  	(tag) =	ssettag $0x0;
	lr =	simm.s32 $0x1  }
0x2: {  	[smem:$0x3F85] =	sst lr;
	_ =	strace $0xD0000000  }
0x3: {  	_ = 	snop  }
0x4: {  	_ = 	snop  }
0x5: {  	_ = 	snop  }
0x6: {  	_ = 	snop  }
0x7: {  	_ = 	snop  }
__scs_overlays_trampoline_lowered:
0x8: {  	[smem:$0x3F94] =	sst s0  }
0x9: {  	[smem:$0x3F95] =	sst s1  }
0xa: {  	[smem:$0x3F96] =	sst s2  }
0xb: {  	[smem:$0x3F97] =	sst s3  }
0xc: {  	[smem:$0x3F98] =	sst s4  }
0xd: {  	[smem:$0x3F99] =	sst s5  }
0xe: {  	[smem:$0x3F9A] =	sst s6  }
0xf: {  	[smem:$0x3F9B] =	sst s7  }
0x10: {  	[smem:$0x3F9C] =	sst s8  }
0x11: {  	[smem:$0x3F9D] =	sst s9;
	s0 =	simm.s32 @!p0 $0x0  }
0x12: {  	s1 =	sld [smem:$0x3F83];
	s0 =	simm.s32 @p0 $0x1  }
0x13: {  	[smem:$0x3F9E] =	sst s0;
	s0 =	simm.s32 @!p1 $0x0  }
0x14: {  	s2 =	sld [smem:$0x3F82];
	s0 =	simm.s32 @p1 $0x1  }
0x15: {  	[smem:$0x3F9F] =	sst s0;
	s0 =	simm.s32 @!p2 $0x0  }
0x16: {  	s3 =	sld [smem:$0x3FDB];
	s0 =	simm.s32 @p2 $0x1  }
0x17: {  	s4 =	simm.s32 $0x1BF5;
	[smem:$0x3FA1] =	sst s0  }
0x18: {  	s0 =	sld [smem:$0x3F84];
	_ =	swait.ge [sflag:s4], $0x0  }
0x19: {  	s7 =	sld [smem:$0x3F85]  }
0x1a: {  	s8 =	sadd.s32 $0xFFFFE003, lr  }
0x1b: {  	s9 =	sadd.s32 $0xFFFFFEF7, lr;
	s5 =	simm.s32 $0xFFFFFFFF;
	p2 =	slt.u32 s8, $0xFFFFF086  }
0x1c: {  	p1 =	slt.u32 s9, $0xF7A;
	s5 =	simm.s32 @!p2 $0x0  }
0x1d: {  	s5 =	simm.s32 @p1 $0x1;
	p0 =	seq.s32 s7, s2  }
0x1e: {  	s7 =	smul.u32 @!p0 $0xF7A, s2;
	p2 =	seq.s32 @!p0 s5, $0x0  }
0x1f: {  	s9 =	smul.u32 $0xF7A, s1;
	s8 =	simm.s32 @!p0 $0x1BF5;
	p2 =	por !p2, p0  }
0x20: {  	[sflag:s8] =	ssyncset.s32 @!p0 $0xFFFFF086;
	s6 =	sadd.s32 @!p0 s3, s7;
	s7 =	simm.s32 @!p0 $0x108  }
0x21: {  	s3 =	sadd.s32 s3, s9;
	s6 =	sadd.s32 @!p0 $0x88, s6;
	s7 =	simm.s32 @p2 $0x1082  }
0x22: {  	[simem:s7], [sflag:s8] =	dma.local @!p0 [hbm:s6], $0xF7A  }
0x23: {  	s9 =	sor.u32 $0xD0000000, s2;
	s6 =	simm.s32 $0x108;
	_ =	swait.ge @!p0 [sflag:s8], $0x0  }
0x24: {  	s3 =	sadd.s32 $0x88, s3;
	s6 =	simm.s32 @!p1 $0x1082;
	[sflag:s4] =	ssyncset.s32 $0xFFFFF086  }
0x25: {  	[simem:s6], [sflag:s4] =	dma.local [hbm:s3], $0xF7A  }
0x26: {  	[smem:$0x3F85] =	sst s1;
	(tag) =	ssettag s2;
	_ =	strace s9  }
0x27: {  	s1 =	sld [smem:$0x3F95]  }
0x28: {  	s2 =	sld [smem:$0x3F96]  }
0x29: {  	s4 =	sld [smem:$0x3F98]  }
0x2a: {  	p0 =	seq.s32 s5, $0x0;
	s5 =	sld [smem:$0x3F99]  }
0x2b: {  	s6 =	sld [smem:$0x3F9A]  }
0x2c: {  	s7 =	sld [smem:$0x3F9B]  }
0x2d: {  	s3 =	simm.s32 $0x108;
	s8 =	sld [smem:$0x3F9C]  }
0x2e: {  	s3 =	simm.s32 @!p0 $0x1082;
	s9 =	sld [smem:$0x3F9D]  }
0x2f: {  	lr =	sadd.s32 s0, s3;
	s0 =	sld [smem:$0x3F94]  }
0x30: {  	s3 =	sld [smem:$0x3F97]  }
0x31: {  	[smem:$0x3FA0] =	sst s10  }
0x32: {  	s10 =	sld [smem:$0x3F9E];
	_ =	sdelay $0x3  }
0x33: {  	p0 =	seq.s32 s10, $0x1;
	s10 =	sld [smem:$0x3FA0];
	_ =	sdelay $0x3  }
0x34: {  	[smem:$0x3FA0] =	sst s10  }
0x35: {  	s10 =	sld [smem:$0x3F9F];
	_ =	sdelay $0x3  }
0x36: {  	p1 =	seq.s32 s10, $0x1;
	s10 =	sld [smem:$0x3FA0];
	_ =	sdelay $0x3  }
0x37: {  	[smem:$0x3FA0] =	sst s10  }
0x38: {  	s10 =	sld [smem:$0x3FA1]  }
0x39: {  	_ = 	snop;
	(pc) =	sbr.ind lr, $3  }
0x3a: {  	_ = 	snop  }
0x3b: {  	_ = 	snop  }
0x3c: {  	p2 =	seq.s32 s10, $0x1;
	s10 =	sld [smem:$0x3FA0]  }
0x3d: {  	_ =	shalt  }
0x3e: {  	_ =	shalt  }
0x3f: {  	_ =	shalt  }
0x40: {  	_ =	shalt  }
0x41: {  	_ =	shalt  }
0x42: {  	_ =	shalt  }
0x43: {  	_ =	shalt  }
0x44: {  	_ =	shalt  }
0x45: {  	_ =	shalt  }
0x46: {  	_ =	shalt  }
0x47: {  	_ =	shalt  }
0x48: {  	_ =	shalt  }
0x49: {  	_ =	shalt  }
0x4a: {  	_ =	shalt  }
0x4b: {  	_ =	shalt  }
0x4c: {  	_ =	shalt  }
0x4d: {  	_ =	shalt  }
0x4e: {  	_ =	shalt  }
0x4f: {  	_ =	shalt  }
0x50: {  	_ =	shalt  }
0x51: {  	_ =	shalt  }
0x52: {  	_ =	shalt  }
0x53: {  	_ =	shalt  }
0x54: {  	_ =	shalt  }
0x55: {  	_ =	shalt  }
0x56: {  	_ =	shalt  }
0x57: {  	_ =	shalt  }
0x58: {  	_ =	shalt  }
0x59: {  	_ =	shalt  }
0x5a: {  	_ =	shalt  }
0x5b: {  	_ =	shalt  }
0x5c: {  	_ =	shalt  }
0x5d: {  	_ =	shalt  }
0x5e: {  	_ =	shalt  }
0x5f: {  	_ =	shalt  }
0x60: {  	_ =	shalt  }
0x61: {  	_ =	shalt  }
0x62: {  	_ =	shalt  }
0x63: {  	_ =	shalt  }
0x64: {  	_ =	shalt  }
0x65: {  	_ =	shalt  }
0x66: {  	_ =	shalt  }
0x67: {  	_ =	shalt  }
0x68: {  	_ =	shalt  }
0x69: {  	_ =	shalt  }
0x6a: {  	_ =	shalt  }
0x6b: {  	_ =	shalt  }
0x6c: {  	_ =	shalt  }
0x6d: {  	_ =	shalt  }
0x6e: {  	_ =	shalt  }
0x6f: {  	_ =	shalt  }
0x70: {  	_ =	shalt  }
0x71: {  	_ =	shalt  }
0x72: {  	_ =	shalt  }
0x73: {  	_ =	shalt  }
0x74: {  	_ =	shalt  }
0x75: {  	_ =	shalt  }
0x76: {  	_ =	shalt  }
0x77: {  	_ =	shalt  }
0x78: {  	_ =	shalt  }
0x79: {  	_ =	shalt  }
0x7a: {  	_ =	shalt  }
0x7b: {  	_ =	shalt  }
0x7c: {  	_ =	shalt  }
0x7d: {  	_ =	shalt  }
0x7e: {  	_ =	shalt  }
0x7f: {  	_ =	shalt  }
0x80: {  	_ =	shalt  }
0x81: {  	_ =	shalt  }
0x82: {  	_ =	shalt  }
0x83: {  	_ =	shalt  }
0x84: {  	_ =	shalt  }
0x85: {  	_ =	shalt  }
0x86: {  	_ =	shalt  }
0x87: {  	_ =	shalt  }
.Lfunc_end0:
.L_simem_size_0:
called_computation_lowered:
.L_overlay_start_0:
0x88: {  	s2 =	sld [smem:$0x3FD9]  }
0x89: {  	s3 =	sld [smem:$0x3FFE];
	_ =	sdelay $0x1  }
0x8a: {  	s1 =	srdreg.scid  }
0x8b: {  	s0 =	sand.u32 $0x1, s1  }
0x8c: {  	s16 =	sshll.u32 s0, $0xA;
	s2 =	sadd.s32 s3, s2  }
0x8d: {  	s2 =	sadd.s32 s2, s16  }
0x8e: {  	[smem:$0x3FAC] =	sst s2  }
0x8f: {  	_ = 	snop  }
0x90: {  	(tm) =	ssettm $0x1  }
0x91: {  	s17 =	sld [smem:$0x3FFB];
	_ =	sdelay $0x3  }
0x92: {  	_ =	strace s17  }
0x93: {  	s2 =	sld [smem:$0x3FFC];
	_ =	sdelay $0x3  }
0x94: {  	_ =	strace s2  }
0x95: {  	s2 =	sld [smem:$0x3FFD];
	_ =	sdelay $0x3  }
0x96: {  	_ =	strace s2  }
0x97: {  	_ =	strace $0x8FFFFFFF  }
0x98: {  	s18 =	sld [smem:$0x3FDB];
	_ =	sdelay $0x1  }
0x99: {  	s19 =	simm.s32 $_scs_section_size  }
0x9a: {  	s4 =	simm.s32 $_size__tile_overlayer_lowered;
	s5 =	simm.s32 $_tile_overlayer_lowered  }
0x9b: {  	s22 =	simm.s32 $0x1BFF;
	s21 =	sshll.u32 s5, $0x1;
	s2 =	sadd.s32 s19, s18  }
0x9c: {  	s6 =	simm.s32 $0x0;
	s20 =	sshll.u32 s4, $0x1;
	s4 =	sadd.s32 s21, s2  }
0x9d: {  	[timem:s6], [sflag:s22] =	dma.local [hbm:s4], s20  }
0x9e: {  	_ =	swait.ge [sflag:s22], s20  }
0x9f: {  	s3 =	ssub.s32 $0x0, s20;
	[sflag:s22] =	ssyncset.done $0x0  }
0xa0: {  	[sflag:s22] =	ssyncadd.s32 s3;
	_ =	sdelay $0x1  }
0xa1: {  	s23 =	simm.s32 $0x1B8B  }
0xa2: {  	_ =	swait.ge [sflag:s23], $0x1  }
0xa3: {  	[sflag:s23] =	ssyncset.done $0x0  }
0xa4: {  	s25 =	simm.s32 $0x1B8E;
	s24 =	sld [smem:$0x3FFE];
	[sflag:s23] =	ssyncadd.s32 $0xFFFFFFFF  }
0xa5: {  	s26 =	simm.s32 $execute0_lowered;
	[smem:$0x3FD2] =	sst s25  }
0xa6: {  	s4 =	sshll.u32 s26, $0x1;
	_ =	strace $0x80000046;
	[dreg:$0x1] =	wrdreg $0xFFFFFFFF  }
0xa7: {  	s28 =	simm.s32 $_size_execute0_lowered;
	s2 =	sadd.s32 s2, s4;
	[dreg:$0x0] =	wrdreg $0x0  }
0xa8: {  	s4 =	sshll.u32 s28, $0x1;
	[dreg:$0x2] =	wrdreg s2  }
0xa9: {  	[dreg:$0x3] =	wrdreg s4  }
0xaa: {  	[dreg:$0x4] =	wrdreg $0xC0  }
0xab: {  	_ =	task [dreg:s6], $0x5FFFF  }
0xac: {  	[dreg:$0x1] =	wrdreg $0xFFFFFFFF  }
0xad: {  	[dreg:$0x0] =	wrdreg $0x60  }
0xae: {  	[dreg:$0x2] =	wrdreg s24  }
0xaf: {  	[dreg:$0x3] =	wrdreg $0x41000  }
0xb0: {  	[dreg:$0x4] =	wrdreg $0x9  }
0xb1: {  	_ =	task.clear_ibuf [dreg:s6], $0x5FFFF;
	_ =	strace $0x90000046  }
0xb2: {  	s29 =	simm.s32 $0x9;
	_ =	strace $0x80000048  }
0xb3: {  	_ =	swait.ge [sflag:s29], $0x1  }
0xb4: {  	[sflag:s29] =	ssyncadd.s32 $0xFFFFFFFF  }
0xb5: {  	_ =	strace $0x90000048  }
0xb6: {  	_ =	sfence  }
0xb7: {  	s30 =	sld [smem:$0x0];
	_ =	sdelay $0x2  }
0xb8: {  	s31 =	sshll.u32 s1, $0xD;
	s1 =	sshrl.u32 s1, $0x2  }
0xb9: {  	s3 =	sand.u32 $0x4000, s31;
	s1 =	sadd.s32 s1, s30  }
0xba: {  	s0 =	sor.u32 s3, s0;
	s1 =	sshll.u32 s1, $0x11  }
0xbb: {  	s0 =	sor.u32 s1, s0  }
0xbc: {  	s0 =	sadd.s32 $0x8F2B, s0  }
0xbd: {  	[sflag:s0] =	ssyncadd.remote.s32 $0x1  }
0xbe: {  	_ =	sfence.sel $0xFFFF  }
0xbf: {  	[dreg:$0x0] =	wrdreg $0xFFFFFFFF;
	(pc) =	sbr.abs _section_cstart, $3  }
0xc0: {  	[dreg:$0x1] =	wrdreg $0xFFFFFFFF  }
0xc1: {  	_ =	task.clear_ibuf [dreg:s6], $0x2FFFF;
	_ =	strace $0x9FFFFFFF  }
0xc2: {  	(tm) =	ssettm $0x7FFFFFFF  }
0xc3: {  	_ =	shalt  }
tec
execute0_lowered:
.L_overlay_start_1:
0x0: {  	(tag) =	ssettag $0x1  }
0x1: {  	s5 =	rddreg [dreg:$0x0]  }
0x2: {  	s2 =	rddreg [dreg:$0x1]  }
0x3: {  	s0 =	rddreg [dreg:$0x2];
	s1 =	stileid.u32  }
0x4: {  	s3 =	simm.s32 $0x0;
	s4 =	srdreg.scid;
	s14 =	simm.s32 $0x80  }
0x5: {  	s15 =	simm.s32 $0x100;
	s16 =	simm.s32 $0x1;
	s6 =	smul.u32 $0x9E0, s1  }
0x6: {  	s17 =	simm.s32 $0x0;
	[smem:$0x7FF] =	sst s3;
	s7 =	smul.u32 $0x14000, s1  }
0x7: {  	s8 =	sand.u32 $0x1, s4;
	s4 =	sadd.s32 $0x18E00, s5;
	s11 =	smul.u32 $0x50000, s1  }
0x8: {  	s30 =	sshll.u32 s1, $0x6;
	_ =	strace $0x80000047;
	s9 =	smul.u32 $0x140000, s8  }
0x9: {  	s28 =	ssub.s32 $0x2, s8;
	s31 =	smul.u32 $0x670, s8;
	p0 =	seq.s32 s8, $0x0  }
0xa: {  	s10 =	sadd.s32 s6, s5;
	s26 =	sshrl.u32 s7, $0x3;
	s12 =	sshrl.u32 s28, $0x1  }
0xb: {  	s11 =	sshrl.u32 s11, $0x2;
	s6 =	sadd.s32 s26, s5;
	s7 =	sadd.s32 s7, s9  }
0xc: {  	s9 =	ssub.s32 s28, s12;
	s29 =	sadd.s32 s11, s2;
	s11 =	sadd.s32 s31, s10  }
0xd: {  	s7 =	sshrl.u32 s7, $0x3;
	s9 =	smax.u32 s9, $0x1;
	s10 =	sadd.s32 $0xF000, s11  }
0xe: {  	s11 =	sadd.s32 $0x5200, s11;
	s12 =	sshrl.u32 s29, $0x3;
	s13 =	sadd.s32 s7, s5  }
0xf: {  	s5 =	sadd.s32 $0x40E00, s6;
	s6 =	sor.u32 $0x1C02, s30;
	s7 =	simm.s32 $0x67  }
0x10: {  	s7 =	simm.s32 @!p0 $0x37;
	s8 =	sadd.s32 $0x68E00, s13;
	s13 =	simm.s32 $0x2  }
.LBB2_1:
0x11: {  	[spmem:s12], [sflag:s6] =	dma.local [hbm:s5], $0x2800  }
0x12: {  	_ =	swait.ge [sflag:s13], $0x2800  }
0x13: {  	[sflag:s13] =	ssyncset.done $0x0  }
0x14: {  	[sflag:s13] =	ssyncadd.s32 $0xFFFFD800  }
0x15: {  	[bflag:$0x0] =	sbarrier.arrive $0xFFFF  }
0x16: {  	[tilespmem:s3], [sflag:$0x2] =	stream.linear.gather [hbm4b:s11+s3], $0x80, $0x38;
	[tilespmem:$0x18100] =	vst v63  }
0x17: {  	_ =	swait.ge [sflag:s13], $0x80  }
0x18: {  	[sflag:s13] =	ssyncset.done $0x0  }
0x19: {  	[sflag:s13] =	ssyncadd.s32 $0xFFFFFF80  }
0x1a: {  	[tilespmem:s14], [sflag:$0x2] =	stream.linear.gather [hbm4b:s10+s3], $0x80, $0x38;
	[tilespmem:$0x18100] =	vst v63  }
0x1b: {  	_ =	swait.ge [sflag:s13], $0x80  }
0x1c: {  	[sflag:s13] =	ssyncset.done $0x0  }
0x1d: {  	[sflag:s13] =	ssyncadd.s32 $0xFFFFFF80  }
0x1e: {  	[tilespmem:s15], [sflag:$0x1] =	stream.indirect.gather [hbm4b:s4+s14], $0x80, s3, s14, $0xb8;
	[tilespmem:$0x18100] =	vst v63  }
0x1f: {  	p0 =	sne.s32 s7, $0x1;
	_ =	swait.ge [sflag:s16], $0x4000  }
.Ltmp0:
0x20: {  	[sflag:s16] =	ssyncset.done $0x0;
	(pc) =	sbr.rel @!p0 .LBB2_3-.Ltmp0, $4  }
0x21: {  	[sflag:s16] =	ssyncadd.s32 $0xFFFFC000  }
0x22: {  	[spmem:s2] =	stream.indirect.scatter.add.f32 [tilespmem:s15], [sflag:$0x2], $0x80, s14, s14, $0xb8;
	[tilespmem:$0x18100] =	vst v63  }
0x23: {  	s18 =	sadd.s32 $0xFFFFFFFF, s7;
	_ =	swait.ge [sflag:s13], $0x4000  }
0x24: {  	s19 =	smov.u32 s10;
	s20 =	smov.u32 s11;
	[sflag:s13] =	ssyncset.done $0x0  }
.LBB2_2:
0x25: {  	[sflag:s13] =	ssyncadd.s32 $0xFFFFC000;
	s19 =	sadd.s32 $0x10, s19;
	s20 =	sadd.s32 $0x10, s20  }
0x26: {  	[tilespmem:s3], [sflag:$0x2] =	stream.linear.gather [hbm4b:s20+s3], $0x80, $0x38;
	[tilespmem:$0x18100] =	vst v63  }
0x27: {  	p0 =	sne.s32 s18, $0x1;
	s18 =	sadd.s32 $0xFFFFFFFF, s18;
	_ =	swait.ge [sflag:s13], $0x80  }
0x28: {  	[sflag:s13] =	ssyncset.done $0x0  }
0x29: {  	[sflag:s13] =	ssyncadd.s32 $0xFFFFFF80  }
0x2a: {  	[tilespmem:s14], [sflag:$0x2] =	stream.linear.gather [hbm4b:s19+s3], $0x80, $0x38;
	[tilespmem:$0x18100] =	vst v63  }
0x2b: {  	_ =	swait.ge [sflag:s13], $0x80  }
0x2c: {  	[sflag:s13] =	ssyncset.done $0x0  }
0x2d: {  	[sflag:s13] =	ssyncadd.s32 $0xFFFFFF80  }
0x2e: {  	[tilespmem:s15], [sflag:$0x1] =	stream.indirect.gather [hbm4b:s4+s14], $0x80, s3, s14, $0xb8;
	[tilespmem:$0x18100] =	vst v63  }
0x2f: {  	_ =	swait.ge [sflag:s16], $0x4000  }
.Ltmp1:
0x30: {  	[sflag:s16] =	ssyncset.done $0x0;
	(pc) =	sbr.rel @p0 .LBB2_2-.Ltmp1, $4  }
0x31: {  	[sflag:s16] =	ssyncadd.s32 $0xFFFFC000  }
0x32: {  	[spmem:s2] =	stream.indirect.scatter.add.f32 [tilespmem:s15], [sflag:$0x2], $0x80, s14, s14, $0xb8;
	[tilespmem:$0x18100] =	vst v63  }
0x33: {  	_ =	swait.ge [sflag:s13], $0x4000  }
0x34: {  	[sflag:s13] =	ssyncset.done $0x0  }
.LBB2_3:
0x35: {  	s17 =	sadd.s32 $0x1, s17  }
0x36: {  	[sflag:s13] =	ssyncadd.s32 $0xFFFFC000;
	p0 =	sne.s32 s17, s9  }
.Ltmp2:
0x37: {  	[bflag:$0x0] =	sbarrier.arrive $0xFFFF;
	(pc) =	sbr.rel @p0 .LBB2_1-.Ltmp2, $4  }
0x38: {  	[hbm:s8], [sflag:s6] =	dma.local [spmem:s12], $0x2800  }
0x39: {  	_ =	swait.ge [sflag:s13], $0x2800  }
0x3a: {  	[sflag:s13] =	ssyncset.done $0x0  }
0x3b: {  	[sflag:s13] =	ssyncadd.s32 $0xFFFFD800  }
0x3c: {  	_ =	sfence.sel $0x180000  }
0x3d: {  	[bflag:$0x0] =	sbarrier.arrive $0xFFFF  }
0x3e: {  	p0 =	sne.s32 s1, $0x0;
	_ =	strace $0x90000047  }
0x3f: {  	s0 =	sadd.s32 @!p0 $0x100000, s0;
	[bflag:$0x2] =	sbarrier.arrive $0xFFFF  }
0x40: {  	[sflag:s0] =	ssyncadd.tile.s32 @!p0 $0x1;
	_ =	shalt  }
.Lfunc_end2:
_tile_overlayer_lowered:
.L_overlay_start_2:
0x41: {  	(tag) =	ssettag $0x2  }
0x42: {  	s0 =	rddreg [dreg:$0x0];
	s2 =	stileid.u32  }
0x43: {  	s1 =	rddreg [dreg:$0x1];
	p0 =	sne.s32 s2, $0x0  }
0x44: {  	s3 =	rddreg [dreg:$0x2];
	[bflag:$0x3] =	sbarrier.arrive $0xFFFF;
	s2 =	simm.s32 @!p0 $0x1C02  }
0x45: {  	[timem:s3], [sflag:s2] =	dma.local @!p0 [hbm:s0], s1  }
0x46: {  	s0 =	simm.s32 @!p0 $0x2  }
0x47: {  	_ =	swait.ge @!p0 [sflag:s0], s1  }
0x48: {  	s1 =	ssub.s32 @!p0 $0x0, s1;
	[sflag:s0] =	ssyncset.done @!p0 $0x0  }
0x49: {  	[sflag:s0] =	ssyncadd.s32 @!p0 s1  }
0x4a: {  	[bflag:$0x3] =	sbarrier.arrive $0xFFFF  }
0x4b: {  	_ =	shalt  }

// kernel: kernel.14.cloned.1.call-start
scs
__scs_entry_jumppad:
0x0: {  	(pc) =	sbr.rel $0x88, $3  }
0x1: {  	(tag) =	ssettag $0x0;
	lr =	simm.s32 $0x1  }
0x2: {  	[smem:$0x3F85] =	sst lr;
	_ =	strace $0xD0000000  }
0x3: {  	_ = 	snop  }
0x4: {  	_ = 	snop  }
0x5: {  	_ = 	snop  }
0x6: {  	_ = 	snop  }
0x7: {  	_ = 	snop  }
__scs_overlays_trampoline_lowered:
0x8: {  	[smem:$0x3F94] =	sst s0  }
0x9: {  	[smem:$0x3F95] =	sst s1  }
0xa: {  	[smem:$0x3F96] =	sst s2  }
0xb: {  	[smem:$0x3F97] =	sst s3  }
0xc: {  	[smem:$0x3F98] =	sst s4  }
0xd: {  	[smem:$0x3F99] =	sst s5  }
0xe: {  	[smem:$0x3F9A] =	sst s6  }
0xf: {  	[smem:$0x3F9B] =	sst s7  }
0x10: {  	[smem:$0x3F9C] =	sst s8  }
0x11: {  	[smem:$0x3F9D] =	sst s9;
	s0 =	simm.s32 @!p0 $0x0  }
0x12: {  	s1 =	sld [smem:$0x3F83];
	s0 =	simm.s32 @p0 $0x1  }
0x13: {  	[smem:$0x3F9E] =	sst s0;
	s0 =	simm.s32 @!p1 $0x0  }
0x14: {  	s2 =	sld [smem:$0x3F82];
	s0 =	simm.s32 @p1 $0x1  }
0x15: {  	[smem:$0x3F9F] =	sst s0;
	s0 =	simm.s32 @!p2 $0x0  }
0x16: {  	s3 =	sld [smem:$0x3FDB];
	s0 =	simm.s32 @p2 $0x1  }
0x17: {  	s4 =	simm.s32 $0x1BF5;
	[smem:$0x3FA1] =	sst s0  }
0x18: {  	s0 =	sld [smem:$0x3F84];
	_ =	swait.ge [sflag:s4], $0x0  }
0x19: {  	s7 =	sld [smem:$0x3F85]  }
0x1a: {  	s8 =	sadd.s32 $0xFFFFE003, lr  }
0x1b: {  	s9 =	sadd.s32 $0xFFFFFEF7, lr;
	s5 =	simm.s32 $0xFFFFFFFF;
	p2 =	slt.u32 s8, $0xFFFFF086  }
0x1c: {  	p1 =	slt.u32 s9, $0xF7A;
	s5 =	simm.s32 @!p2 $0x0  }
0x1d: {  	s5 =	simm.s32 @p1 $0x1;
	p0 =	seq.s32 s7, s2  }
0x1e: {  	s7 =	smul.u32 @!p0 $0xF7A, s2;
	p2 =	seq.s32 @!p0 s5, $0x0  }
0x1f: {  	s9 =	smul.u32 $0xF7A, s1;
	s8 =	simm.s32 @!p0 $0x1BF5;
	p2 =	por !p2, p0  }
0x20: {  	[sflag:s8] =	ssyncset.s32 @!p0 $0xFFFFF086;
	s6 =	sadd.s32 @!p0 s3, s7;
	s7 =	simm.s32 @!p0 $0x108  }
0x21: {  	s3 =	sadd.s32 s3, s9;
	s6 =	sadd.s32 @!p0 $0x88, s6;
	s7 =	simm.s32 @p2 $0x1082  }
0x22: {  	[simem:s7], [sflag:s8] =	dma.local @!p0 [hbm:s6], $0xF7A  }
0x23: {  	s9 =	sor.u32 $0xD0000000, s2;
	s6 =	simm.s32 $0x108;
	_ =	swait.ge @!p0 [sflag:s8], $0x0  }
0x24: {  	s3 =	sadd.s32 $0x88, s3;
	s6 =	simm.s32 @!p1 $0x1082;
	[sflag:s4] =	ssyncset.s32 $0xFFFFF086  }
0x25: {  	[simem:s6], [sflag:s4] =	dma.local [hbm:s3], $0xF7A  }
0x26: {  	[smem:$0x3F85] =	sst s1;
	(tag) =	ssettag s2;
	_ =	strace s9  }
0x27: {  	s1 =	sld [smem:$0x3F95]  }
0x28: {  	s2 =	sld [smem:$0x3F96]  }
0x29: {  	s4 =	sld [smem:$0x3F98]  }
0x2a: {  	p0 =	seq.s32 s5, $0x0;
	s5 =	sld [smem:$0x3F99]  }
0x2b: {  	s6 =	sld [smem:$0x3F9A]  }
0x2c: {  	s7 =	sld [smem:$0x3F9B]  }
0x2d: {  	s3 =	simm.s32 $0x108;
	s8 =	sld [smem:$0x3F9C]  }
0x2e: {  	s3 =	simm.s32 @!p0 $0x1082;
	s9 =	sld [smem:$0x3F9D]  }
0x2f: {  	lr =	sadd.s32 s0, s3;
	s0 =	sld [smem:$0x3F94]  }
0x30: {  	s3 =	sld [smem:$0x3F97]  }
0x31: {  	[smem:$0x3FA0] =	sst s10  }
0x32: {  	s10 =	sld [smem:$0x3F9E];
	_ =	sdelay $0x3  }
0x33: {  	p0 =	seq.s32 s10, $0x1;
	s10 =	sld [smem:$0x3FA0];
	_ =	sdelay $0x3  }
0x34: {  	[smem:$0x3FA0] =	sst s10  }
0x35: {  	s10 =	sld [smem:$0x3F9F];
	_ =	sdelay $0x3  }
0x36: {  	p1 =	seq.s32 s10, $0x1;
	s10 =	sld [smem:$0x3FA0];
	_ =	sdelay $0x3  }
0x37: {  	[smem:$0x3FA0] =	sst s10  }
0x38: {  	s10 =	sld [smem:$0x3FA1]  }
0x39: {  	_ = 	snop;
	(pc) =	sbr.ind lr, $3  }
0x3a: {  	_ = 	snop  }
0x3b: {  	_ = 	snop  }
0x3c: {  	p2 =	seq.s32 s10, $0x1;
	s10 =	sld [smem:$0x3FA0]  }
0x3d: {  	_ =	shalt  }
0x3e: {  	_ =	shalt  }
0x3f: {  	_ =	shalt  }
0x40: {  	_ =	shalt  }
0x41: {  	_ =	shalt  }
0x42: {  	_ =	shalt  }
0x43: {  	_ =	shalt  }
0x44: {  	_ =	shalt  }
0x45: {  	_ =	shalt  }
0x46: {  	_ =	shalt  }
0x47: {  	_ =	shalt  }
0x48: {  	_ =	shalt  }
0x49: {  	_ =	shalt  }
0x4a: {  	_ =	shalt  }
0x4b: {  	_ =	shalt  }
0x4c: {  	_ =	shalt  }
0x4d: {  	_ =	shalt  }
0x4e: {  	_ =	shalt  }
0x4f: {  	_ =	shalt  }
0x50: {  	_ =	shalt  }
0x51: {  	_ =	shalt  }
0x52: {  	_ =	shalt  }
0x53: {  	_ =	shalt  }
0x54: {  	_ =	shalt  }
0x55: {  	_ =	shalt  }
0x56: {  	_ =	shalt  }
0x57: {  	_ =	shalt  }
0x58: {  	_ =	shalt  }
0x59: {  	_ =	shalt  }
0x5a: {  	_ =	shalt  }
0x5b: {  	_ =	shalt  }
0x5c: {  	_ =	shalt  }
0x5d: {  	_ =	shalt  }
0x5e: {  	_ =	shalt  }
0x5f: {  	_ =	shalt  }
0x60: {  	_ =	shalt  }
0x61: {  	_ =	shalt  }
0x62: {  	_ =	shalt  }
0x63: {  	_ =	shalt  }
0x64: {  	_ =	shalt  }
0x65: {  	_ =	shalt  }
0x66: {  	_ =	shalt  }
0x67: {  	_ =	shalt  }
0x68: {  	_ =	shalt  }
0x69: {  	_ =	shalt  }
0x6a: {  	_ =	shalt  }
0x6b: {  	_ =	shalt  }
0x6c: {  	_ =	shalt  }
0x6d: {  	_ =	shalt  }
0x6e: {  	_ =	shalt  }
0x6f: {  	_ =	shalt  }
0x70: {  	_ =	shalt  }
0x71: {  	_ =	shalt  }
0x72: {  	_ =	shalt  }
0x73: {  	_ =	shalt  }
0x74: {  	_ =	shalt  }
0x75: {  	_ =	shalt  }
0x76: {  	_ =	shalt  }
0x77: {  	_ =	shalt  }
0x78: {  	_ =	shalt  }
0x79: {  	_ =	shalt  }
0x7a: {  	_ =	shalt  }
0x7b: {  	_ =	shalt  }
0x7c: {  	_ =	shalt  }
0x7d: {  	_ =	shalt  }
0x7e: {  	_ =	shalt  }
0x7f: {  	_ =	shalt  }
0x80: {  	_ =	shalt  }
0x81: {  	_ =	shalt  }
0x82: {  	_ =	shalt  }
0x83: {  	_ =	shalt  }
0x84: {  	_ =	shalt  }
0x85: {  	_ =	shalt  }
0x86: {  	_ =	shalt  }
0x87: {  	_ =	shalt  }
.Lfunc_end0:
.L_simem_size_0:
called_computation.1_lowered:
.L_overlay_start_0:
0x88: {  	s2 =	sld [smem:$0x3FD9]  }
0x89: {  	s3 =	sld [smem:$0x3FFE];
	_ =	sdelay $0x1  }
0x8a: {  	s1 =	srdreg.scid  }
0x8b: {  	s0 =	sand.u32 $0x1, s1  }
0x8c: {  	s16 =	sshll.u32 s0, $0xA;
	s2 =	sadd.s32 s3, s2  }
0x8d: {  	s2 =	sadd.s32 s2, s16  }
0x8e: {  	[smem:$0x3FAC] =	sst s2  }
0x8f: {  	_ = 	snop  }
0x90: {  	(tm) =	ssettm $0x1  }
0x91: {  	s17 =	sld [smem:$0x3FFB];
	_ =	sdelay $0x3  }
0x92: {  	_ =	strace s17  }
0x93: {  	s2 =	sld [smem:$0x3FFC];
	_ =	sdelay $0x3  }
0x94: {  	_ =	strace s2  }
0x95: {  	s2 =	sld [smem:$0x3FFD];
	_ =	sdelay $0x3  }
0x96: {  	_ =	strace s2  }
0x97: {  	_ =	strace $0x8FFFFFFF  }
0x98: {  	s18 =	sld [smem:$0x3FDB];
	_ =	sdelay $0x1  }
0x99: {  	s19 =	simm.s32 $_scs_section_size  }
0x9a: {  	s4 =	simm.s32 $_size__tile_overlayer_lowered;
	s5 =	simm.s32 $_tile_overlayer_lowered  }
0x9b: {  	s22 =	simm.s32 $0x1BFF;
	s21 =	sshll.u32 s5, $0x1;
	s2 =	sadd.s32 s19, s18  }
0x9c: {  	s6 =	simm.s32 $0x0;
	s20 =	sshll.u32 s4, $0x1;
	s4 =	sadd.s32 s21, s2  }
0x9d: {  	[timem:s6], [sflag:s22] =	dma.local [hbm:s4], s20  }
0x9e: {  	_ =	swait.ge [sflag:s22], s20  }
0x9f: {  	s3 =	ssub.s32 $0x0, s20;
	[sflag:s22] =	ssyncset.done $0x0  }
0xa0: {  	[sflag:s22] =	ssyncadd.s32 s3;
	_ =	sdelay $0x1  }
0xa1: {  	s23 =	simm.s32 $0x1B8B  }
0xa2: {  	_ =	swait.ge [sflag:s23], $0x1  }
0xa3: {  	[sflag:s23] =	ssyncset.done $0x0  }
0xa4: {  	s25 =	simm.s32 $0x1B8E;
	s24 =	sld [smem:$0x3FFE];
	[sflag:s23] =	ssyncadd.s32 $0xFFFFFFFF  }
0xa5: {  	s26 =	simm.s32 $execute0_lowered;
	[smem:$0x3FD2] =	sst s25  }
0xa6: {  	s4 =	sshll.u32 s26, $0x1;
	_ =	strace $0x80000049;
	[dreg:$0x1] =	wrdreg $0xFFFFFFFF  }
0xa7: {  	s28 =	simm.s32 $_size_execute0_lowered;
	s2 =	sadd.s32 s2, s4;
	[dreg:$0x0] =	wrdreg $0x0  }
0xa8: {  	s4 =	sshll.u32 s28, $0x1;
	[dreg:$0x2] =	wrdreg s2  }
0xa9: {  	[dreg:$0x3] =	wrdreg s4  }
0xaa: {  	[dreg:$0x4] =	wrdreg $0xC0  }
0xab: {  	_ =	task [dreg:s6], $0x5FFFF  }
0xac: {  	[dreg:$0x1] =	wrdreg $0xFFFFFFFF  }
0xad: {  	[dreg:$0x0] =	wrdreg $0x60  }
0xae: {  	[dreg:$0x2] =	wrdreg s24  }
0xaf: {  	[dreg:$0x3] =	wrdreg $0x41000  }
0xb0: {  	[dreg:$0x4] =	wrdreg $0x9  }
0xb1: {  	_ =	task.clear_ibuf [dreg:s6], $0x5FFFF;
	_ =	strace $0x90000049  }
0xb2: {  	s29 =	simm.s32 $0x9;
	_ =	strace $0x8000004B  }
0xb3: {  	_ =	swait.ge [sflag:s29], $0x1  }
0xb4: {  	[sflag:s29] =	ssyncadd.s32 $0xFFFFFFFF  }
0xb5: {  	_ =	strace $0x9000004B  }
0xb6: {  	_ =	sfence  }
0xb7: {  	s30 =	sld [smem:$0x0];
	_ =	sdelay $0x2  }
0xb8: {  	s31 =	sshll.u32 s1, $0xD;
	s1 =	sshrl.u32 s1, $0x2  }
0xb9: {  	s3 =	sand.u32 $0x4000, s31;
	s1 =	sadd.s32 s1, s30  }
0xba: {  	s0 =	sor.u32 s3, s0;
	s1 =	sshll.u32 s1, $0x11  }
0xbb: {  	s0 =	sor.u32 s1, s0  }
0xbc: {  	s0 =	sadd.s32 $0x8F2B, s0  }
0xbd: {  	[sflag:s0] =	ssyncadd.remote.s32 $0x1  }
0xbe: {  	_ =	sfence.sel $0xFFFF  }
0xbf: {  	[dreg:$0x0] =	wrdreg $0xFFFFFFFF;
	(pc) =	sbr.abs _section_cstart, $3  }
0xc0: {  	[dreg:$0x1] =	wrdreg $0xFFFFFFFF  }
0xc1: {  	_ =	task.clear_ibuf [dreg:s6], $0x2FFFF;
	_ =	strace $0x9FFFFFFF  }
0xc2: {  	(tm) =	ssettm $0x7FFFFFFF  }
0xc3: {  	_ =	shalt  }
tec
execute0_lowered:
.L_overlay_start_1:
0x0: {  	(tag) =	ssettag $0x1  }
0x1: {  	s5 =	rddreg [dreg:$0x0]  }
0x2: {  	s2 =	rddreg [dreg:$0x1]  }
0x3: {  	s0 =	rddreg [dreg:$0x2];
	s1 =	stileid.u32  }
0x4: {  	s3 =	simm.s32 $0x0;
	s4 =	srdreg.scid;
	s14 =	simm.s32 $0x80  }
0x5: {  	s15 =	simm.s32 $0x100;
	s16 =	simm.s32 $0x1;
	s6 =	smul.u32 $0x9E0, s1  }
0x6: {  	s17 =	simm.s32 $0x0;
	[smem:$0x7FF] =	sst s3;
	s7 =	smul.u32 $0x14000, s1  }
0x7: {  	s8 =	sand.u32 $0x1, s4;
	s4 =	sadd.s32 $0x18E00, s5;
	s11 =	smul.u32 $0x50000, s1  }
0x8: {  	s30 =	sshll.u32 s1, $0x6;
	_ =	strace $0x8000004A;
	s9 =	smul.u32 $0x140000, s8  }
0x9: {  	s28 =	ssub.s32 $0x2, s8;
	s31 =	smul.u32 $0x670, s8;
	p0 =	seq.s32 s8, $0x0  }
0xa: {  	s10 =	sadd.s32 s6, s5;
	s26 =	sshrl.u32 s7, $0x3;
	s12 =	sshrl.u32 s28, $0x1  }
0xb: {  	s11 =	sshrl.u32 s11, $0x2;
	s6 =	sadd.s32 s26, s5;
	s7 =	sadd.s32 s7, s9  }
0xc: {  	s9 =	ssub.s32 s28, s12;
	s29 =	sadd.s32 s11, s2;
	s11 =	sadd.s32 s31, s10  }
0xd: {  	s7 =	sshrl.u32 s7, $0x3;
	s9 =	smax.u32 s9, $0x1;
	s10 =	sadd.s32 $0xF000, s11  }
0xe: {  	s11 =	sadd.s32 $0x5200, s11;
	s12 =	sshrl.u32 s29, $0x3;
	s13 =	sadd.s32 s7, s5  }
0xf: {  	s5 =	sadd.s32 $0x40E00, s6;
	s6 =	sor.u32 $0x1C02, s30;
	s7 =	simm.s32 $0x67  }
0x10: {  	s7 =	simm.s32 @!p0 $0x37;
	s8 =	sadd.s32 $0x68E00, s13;
	s13 =	simm.s32 $0x2  }
.LBB2_1:
0x11: {  	[spmem:s12], [sflag:s6] =	dma.local [hbm:s5], $0x2800  }
0x12: {  	_ =	swait.ge [sflag:s13], $0x2800  }
0x13: {  	[sflag:s13] =	ssyncset.done $0x0  }
0x14: {  	[sflag:s13] =	ssyncadd.s32 $0xFFFFD800  }
0x15: {  	[bflag:$0x0] =	sbarrier.arrive $0xFFFF  }
0x16: {  	[tilespmem:s3], [sflag:$0x2] =	stream.linear.gather [hbm4b:s11+s3], $0x80, $0x38;
	[tilespmem:$0x18100] =	vst v63  }
0x17: {  	_ =	swait.ge [sflag:s13], $0x80  }
0x18: {  	[sflag:s13] =	ssyncset.done $0x0  }
0x19: {  	[sflag:s13] =	ssyncadd.s32 $0xFFFFFF80  }
0x1a: {  	[tilespmem:s14], [sflag:$0x2] =	stream.linear.gather [hbm4b:s10+s3], $0x80, $0x38;
	[tilespmem:$0x18100] =	vst v63  }
0x1b: {  	_ =	swait.ge [sflag:s13], $0x80  }
0x1c: {  	[sflag:s13] =	ssyncset.done $0x0  }
0x1d: {  	[sflag:s13] =	ssyncadd.s32 $0xFFFFFF80  }
0x1e: {  	[tilespmem:s15], [sflag:$0x1] =	stream.indirect.gather [hbm4b:s4+s14], $0x80, s3, s14, $0xb8;
	[tilespmem:$0x18100] =	vst v63  }
0x1f: {  	p0 =	sne.s32 s7, $0x1;
	_ =	swait.ge [sflag:s16], $0x4000  }
.Ltmp0:
0x20: {  	[sflag:s16] =	ssyncset.done $0x0;
	(pc) =	sbr.rel @!p0 .LBB2_3-.Ltmp0, $4  }
0x21: {  	[sflag:s16] =	ssyncadd.s32 $0xFFFFC000  }
0x22: {  	[spmem:s2] =	stream.indirect.scatter.add.f32 [tilespmem:s15], [sflag:$0x2], $0x80, s14, s14, $0xb8;
	[tilespmem:$0x18100] =	vst v63  }
0x23: {  	s18 =	sadd.s32 $0xFFFFFFFF, s7;
	_ =	swait.ge [sflag:s13], $0x4000  }
0x24: {  	s19 =	smov.u32 s10;
	s20 =	smov.u32 s11;
	[sflag:s13] =	ssyncset.done $0x0  }
.LBB2_2:
0x25: {  	[sflag:s13] =	ssyncadd.s32 $0xFFFFC000;
	s19 =	sadd.s32 $0x10, s19;
	s20 =	sadd.s32 $0x10, s20  }
0x26: {  	[tilespmem:s3], [sflag:$0x2] =	stream.linear.gather [hbm4b:s20+s3], $0x80, $0x38;
	[tilespmem:$0x18100] =	vst v63  }
0x27: {  	p0 =	sne.s32 s18, $0x1;
	s18 =	sadd.s32 $0xFFFFFFFF, s18;
	_ =	swait.ge [sflag:s13], $0x80  }
0x28: {  	[sflag:s13] =	ssyncset.done $0x0  }
0x29: {  	[sflag:s13] =	ssyncadd.s32 $0xFFFFFF80  }
0x2a: {  	[tilespmem:s14], [sflag:$0x2] =	stream.linear.gather [hbm4b:s19+s3], $0x80, $0x38;
	[tilespmem:$0x18100] =	vst v63  }
0x2b: {  	_ =	swait.ge [sflag:s13], $0x80  }
0x2c: {  	[sflag:s13] =	ssyncset.done $0x0  }
0x2d: {  	[sflag:s13] =	ssyncadd.s32 $0xFFFFFF80  }
0x2e: {  	[tilespmem:s15], [sflag:$0x1] =	stream.indirect.gather [hbm4b:s4+s14], $0x80, s3, s14, $0xb8;
	[tilespmem:$0x18100] =	vst v63  }
0x2f: {  	_ =	swait.ge [sflag:s16], $0x4000  }
.Ltmp1:
0x30: {  	[sflag:s16] =	ssyncset.done $0x0;
	(pc) =	sbr.rel @p0 .LBB2_2-.Ltmp1, $4  }
0x31: {  	[sflag:s16] =	ssyncadd.s32 $0xFFFFC000  }
0x32: {  	[spmem:s2] =	stream.indirect.scatter.add.f32 [tilespmem:s15], [sflag:$0x2], $0x80, s14, s14, $0xb8;
	[tilespmem:$0x18100] =	vst v63  }
0x33: {  	_ =	swait.ge [sflag:s13], $0x4000  }
0x34: {  	[sflag:s13] =	ssyncset.done $0x0  }
.LBB2_3:
0x35: {  	s17 =	sadd.s32 $0x1, s17  }
0x36: {  	[sflag:s13] =	ssyncadd.s32 $0xFFFFC000;
	p0 =	sne.s32 s17, s9  }
.Ltmp2:
0x37: {  	[bflag:$0x0] =	sbarrier.arrive $0xFFFF;
	(pc) =	sbr.rel @p0 .LBB2_1-.Ltmp2, $4  }
0x38: {  	[hbm:s8], [sflag:s6] =	dma.local [spmem:s12], $0x2800  }
0x39: {  	_ =	swait.ge [sflag:s13], $0x2800  }
0x3a: {  	[sflag:s13] =	ssyncset.done $0x0  }
0x3b: {  	[sflag:s13] =	ssyncadd.s32 $0xFFFFD800  }
0x3c: {  	_ =	sfence.sel $0x180000  }
0x3d: {  	[bflag:$0x0] =	sbarrier.arrive $0xFFFF  }
0x3e: {  	p0 =	sne.s32 s1, $0x0;
	_ =	strace $0x9000004A  }
0x3f: {  	s0 =	sadd.s32 @!p0 $0x100000, s0;
	[bflag:$0x2] =	sbarrier.arrive $0xFFFF  }
0x40: {  	[sflag:s0] =	ssyncadd.tile.s32 @!p0 $0x1;
	_ =	shalt  }
.Lfunc_end2:
_tile_overlayer_lowered:
.L_overlay_start_2:
0x41: {  	(tag) =	ssettag $0x2  }
0x42: {  	s0 =	rddreg [dreg:$0x0];
	s2 =	stileid.u32  }
0x43: {  	s1 =	rddreg [dreg:$0x1];
	p0 =	sne.s32 s2, $0x0  }
0x44: {  	s3 =	rddreg [dreg:$0x2];
	[bflag:$0x3] =	sbarrier.arrive $0xFFFF;
	s2 =	simm.s32 @!p0 $0x1C02  }
0x45: {  	[timem:s3], [sflag:s2] =	dma.local @!p0 [hbm:s0], s1  }
0x46: {  	s0 =	simm.s32 @!p0 $0x2  }
0x47: {  	_ =	swait.ge @!p0 [sflag:s0], s1  }
0x48: {  	s1 =	ssub.s32 @!p0 $0x0, s1;
	[sflag:s0] =	ssyncset.done @!p0 $0x0  }
0x49: {  	[sflag:s0] =	ssyncadd.s32 @!p0 s1  }
0x4a: {  	[bflag:$0x3] =	sbarrier.arrive $0xFFFF  }
0x4b: {  	_ =	shalt  }

// kernel: kernel.17.cloned.1.call-start
scs
__scs_entry_jumppad:
0x0: {  	(pc) =	sbr.rel $0x88, $3  }
0x1: {  	(tag) =	ssettag $0x0;
	lr =	simm.s32 $0x1  }
0x2: {  	[smem:$0x3F85] =	sst lr;
	_ =	strace $0xD0000000  }
0x3: {  	_ = 	snop  }
0x4: {  	_ = 	snop  }
0x5: {  	_ = 	snop  }
0x6: {  	_ = 	snop  }
0x7: {  	_ = 	snop  }
__scs_overlays_trampoline_lowered:
0x8: {  	[smem:$0x3F94] =	sst s0  }
0x9: {  	[smem:$0x3F95] =	sst s1  }
0xa: {  	[smem:$0x3F96] =	sst s2  }
0xb: {  	[smem:$0x3F97] =	sst s3  }
0xc: {  	[smem:$0x3F98] =	sst s4  }
0xd: {  	[smem:$0x3F99] =	sst s5  }
0xe: {  	[smem:$0x3F9A] =	sst s6  }
0xf: {  	[smem:$0x3F9B] =	sst s7  }
0x10: {  	[smem:$0x3F9C] =	sst s8  }
0x11: {  	[smem:$0x3F9D] =	sst s9;
	s0 =	simm.s32 @!p0 $0x0  }
0x12: {  	s1 =	sld [smem:$0x3F83];
	s0 =	simm.s32 @p0 $0x1  }
0x13: {  	[smem:$0x3F9E] =	sst s0;
	s0 =	simm.s32 @!p1 $0x0  }
0x14: {  	s2 =	sld [smem:$0x3F82];
	s0 =	simm.s32 @p1 $0x1  }
0x15: {  	[smem:$0x3F9F] =	sst s0;
	s0 =	simm.s32 @!p2 $0x0  }
0x16: {  	s3 =	sld [smem:$0x3FDB];
	s0 =	simm.s32 @p2 $0x1  }
0x17: {  	s4 =	simm.s32 $0x1BF5;
	[smem:$0x3FA1] =	sst s0  }
0x18: {  	s0 =	sld [smem:$0x3F84];
	_ =	swait.ge [sflag:s4], $0x0  }
0x19: {  	s7 =	sld [smem:$0x3F85]  }
0x1a: {  	s8 =	sadd.s32 $0xFFFFE003, lr  }
0x1b: {  	s9 =	sadd.s32 $0xFFFFFEF7, lr;
	s5 =	simm.s32 $0xFFFFFFFF;
	p2 =	slt.u32 s8, $0xFFFFF086  }
0x1c: {  	p1 =	slt.u32 s9, $0xF7A;
	s5 =	simm.s32 @!p2 $0x0  }
0x1d: {  	s5 =	simm.s32 @p1 $0x1;
	p0 =	seq.s32 s7, s2  }
0x1e: {  	s7 =	smul.u32 @!p0 $0xF7A, s2;
	p2 =	seq.s32 @!p0 s5, $0x0  }
0x1f: {  	s9 =	smul.u32 $0xF7A, s1;
	s8 =	simm.s32 @!p0 $0x1BF5;
	p2 =	por !p2, p0  }
0x20: {  	[sflag:s8] =	ssyncset.s32 @!p0 $0xFFFFF086;
	s6 =	sadd.s32 @!p0 s3, s7;
	s7 =	simm.s32 @!p0 $0x108  }
0x21: {  	s3 =	sadd.s32 s3, s9;
	s6 =	sadd.s32 @!p0 $0x88, s6;
	s7 =	simm.s32 @p2 $0x1082  }
0x22: {  	[simem:s7], [sflag:s8] =	dma.local @!p0 [hbm:s6], $0xF7A  }
0x23: {  	s9 =	sor.u32 $0xD0000000, s2;
	s6 =	simm.s32 $0x108;
	_ =	swait.ge @!p0 [sflag:s8], $0x0  }
0x24: {  	s3 =	sadd.s32 $0x88, s3;
	s6 =	simm.s32 @!p1 $0x1082;
	[sflag:s4] =	ssyncset.s32 $0xFFFFF086  }
0x25: {  	[simem:s6], [sflag:s4] =	dma.local [hbm:s3], $0xF7A  }
0x26: {  	[smem:$0x3F85] =	sst s1;
	(tag) =	ssettag s2;
	_ =	strace s9  }
0x27: {  	s1 =	sld [smem:$0x3F95]  }
0x28: {  	s2 =	sld [smem:$0x3F96]  }
0x29: {  	s4 =	sld [smem:$0x3F98]  }
0x2a: {  	p0 =	seq.s32 s5, $0x0;
	s5 =	sld [smem:$0x3F99]  }
0x2b: {  	s6 =	sld [smem:$0x3F9A]  }
0x2c: {  	s7 =	sld [smem:$0x3F9B]  }
0x2d: {  	s3 =	simm.s32 $0x108;
	s8 =	sld [smem:$0x3F9C]  }
0x2e: {  	s3 =	simm.s32 @!p0 $0x1082;
	s9 =	sld [smem:$0x3F9D]  }
0x2f: {  	lr =	sadd.s32 s0, s3;
	s0 =	sld [smem:$0x3F94]  }
0x30: {  	s3 =	sld [smem:$0x3F97]  }
0x31: {  	[smem:$0x3FA0] =	sst s10  }
0x32: {  	s10 =	sld [smem:$0x3F9E];
	_ =	sdelay $0x3  }
0x33: {  	p0 =	seq.s32 s10, $0x1;
	s10 =	sld [smem:$0x3FA0];
	_ =	sdelay $0x3  }
0x34: {  	[smem:$0x3FA0] =	sst s10  }
0x35: {  	s10 =	sld [smem:$0x3F9F];
	_ =	sdelay $0x3  }
0x36: {  	p1 =	seq.s32 s10, $0x1;
	s10 =	sld [smem:$0x3FA0];
	_ =	sdelay $0x3  }
0x37: {  	[smem:$0x3FA0] =	sst s10  }
0x38: {  	s10 =	sld [smem:$0x3FA1]  }
0x39: {  	_ = 	snop;
	(pc) =	sbr.ind lr, $3  }
0x3a: {  	_ = 	snop  }
0x3b: {  	_ = 	snop  }
0x3c: {  	p2 =	seq.s32 s10, $0x1;
	s10 =	sld [smem:$0x3FA0]  }
0x3d: {  	_ =	shalt  }
0x3e: {  	_ =	shalt  }
0x3f: {  	_ =	shalt  }
0x40: {  	_ =	shalt  }
0x41: {  	_ =	shalt  }
0x42: {  	_ =	shalt  }
0x43: {  	_ =	shalt  }
0x44: {  	_ =	shalt  }
0x45: {  	_ =	shalt  }
0x46: {  	_ =	shalt  }
0x47: {  	_ =	shalt  }
0x48: {  	_ =	shalt  }
0x49: {  	_ =	shalt  }
0x4a: {  	_ =	shalt  }
0x4b: {  	_ =	shalt  }
0x4c: {  	_ =	shalt  }
0x4d: {  	_ =	shalt  }
0x4e: {  	_ =	shalt  }
0x4f: {  	_ =	shalt  }
0x50: {  	_ =	shalt  }
0x51: {  	_ =	shalt  }
0x52: {  	_ =	shalt  }
0x53: {  	_ =	shalt  }
0x54: {  	_ =	shalt  }
0x55: {  	_ =	shalt  }
0x56: {  	_ =	shalt  }
0x57: {  	_ =	shalt  }
0x58: {  	_ =	shalt  }
0x59: {  	_ =	shalt  }
0x5a: {  	_ =	shalt  }
0x5b: {  	_ =	shalt  }
0x5c: {  	_ =	shalt  }
0x5d: {  	_ =	shalt  }
0x5e: {  	_ =	shalt  }
0x5f: {  	_ =	shalt  }
0x60: {  	_ =	shalt  }
0x61: {  	_ =	shalt  }
0x62: {  	_ =	shalt  }
0x63: {  	_ =	shalt  }
0x64: {  	_ =	shalt  }
0x65: {  	_ =	shalt  }
0x66: {  	_ =	shalt  }
0x67: {  	_ =	shalt  }
0x68: {  	_ =	shalt  }
0x69: {  	_ =	shalt  }
0x6a: {  	_ =	shalt  }
0x6b: {  	_ =	shalt  }
0x6c: {  	_ =	shalt  }
0x6d: {  	_ =	shalt  }
0x6e: {  	_ =	shalt  }
0x6f: {  	_ =	shalt  }
0x70: {  	_ =	shalt  }
0x71: {  	_ =	shalt  }
0x72: {  	_ =	shalt  }
0x73: {  	_ =	shalt  }
0x74: {  	_ =	shalt  }
0x75: {  	_ =	shalt  }
0x76: {  	_ =	shalt  }
0x77: {  	_ =	shalt  }
0x78: {  	_ =	shalt  }
0x79: {  	_ =	shalt  }
0x7a: {  	_ =	shalt  }
0x7b: {  	_ =	shalt  }
0x7c: {  	_ =	shalt  }
0x7d: {  	_ =	shalt  }
0x7e: {  	_ =	shalt  }
0x7f: {  	_ =	shalt  }
0x80: {  	_ =	shalt  }
0x81: {  	_ =	shalt  }
0x82: {  	_ =	shalt  }
0x83: {  	_ =	shalt  }
0x84: {  	_ =	shalt  }
0x85: {  	_ =	shalt  }
0x86: {  	_ =	shalt  }
0x87: {  	_ =	shalt  }
.Lfunc_end0:
.L_simem_size_0:
called_computation.2_lowered:
.L_overlay_start_0:
0x88: {  	s2 =	sld [smem:$0x3FD9]  }
0x89: {  	s3 =	sld [smem:$0x3FFE];
	_ =	sdelay $0x1  }
0x8a: {  	s1 =	srdreg.scid  }
0x8b: {  	s0 =	sand.u32 $0x1, s1  }
0x8c: {  	s17 =	sshll.u32 s0, $0xA;
	s2 =	sadd.s32 s3, s2  }
0x8d: {  	s2 =	sadd.s32 s2, s17  }
0x8e: {  	[smem:$0x3FAC] =	sst s2  }
0x8f: {  	_ = 	snop  }
0x90: {  	(tm) =	ssettm $0x1  }
0x91: {  	s18 =	sld [smem:$0x3FFB];
	_ =	sdelay $0x3  }
0x92: {  	_ =	strace s18  }
0x93: {  	s2 =	sld [smem:$0x3FFC];
	_ =	sdelay $0x3  }
0x94: {  	_ =	strace s2  }
0x95: {  	s2 =	sld [smem:$0x3FFD];
	_ =	sdelay $0x3  }
0x96: {  	_ =	strace s2  }
0x97: {  	_ =	strace $0x8FFFFFFF  }
0x98: {  	s19 =	sld [smem:$0x3FDB];
	_ =	sdelay $0x1  }
0x99: {  	s20 =	simm.s32 $_scs_section_size  }
0x9a: {  	s4 =	simm.s32 $_size__tile_overlayer_lowered;
	s5 =	simm.s32 $_tile_overlayer_lowered  }
0x9b: {  	s6 =	simm.s32 $0x1BFF;
	s21 =	sshll.u32 s5, $0x1;
	s3 =	sadd.s32 s20, s19  }
0x9c: {  	s22 =	simm.s32 $0x0;
	s4 =	sshll.u32 s4, $0x1;
	s5 =	sadd.s32 s21, s3  }
0x9d: {  	[timem:s22], [sflag:s6] =	dma.local [hbm:s5], s4  }
0x9e: {  	_ =	swait.ge [sflag:s6], s4  }
0x9f: {  	s4 =	ssub.s32 $0x0, s4;
	[sflag:s6] =	ssyncset.done $0x0  }
0xa0: {  	[sflag:s6] =	ssyncadd.s32 s4;
	_ =	sdelay $0x1  }
0xa1: {  	s23 =	simm.s32 $0x1B8B  }
0xa2: {  	_ =	swait.ge [sflag:s23], $0x1  }
0xa3: {  	[sflag:s23] =	ssyncset.done $0x0  }
0xa4: {  	[sflag:s23] =	ssyncadd.s32 $0xFFFFFFFF  }
0xa5: {  	s4 =	sld [smem:$0x0]  }
0xa6: {  	s5 =	sand.u32 $0xFFFFFFFE, s1  }
0xa7: {  	p0 =	sne.s32 s1, s5  }
0xa8: {  	s5 =	sshll.u32 @p0 s5, $0xE  }
0xa9: {  	s5 =	sadd.s32 @p0 $0x11B8D, s5;
	s6 =	sshll.u32 @p0 s4, $0x11  }
0xaa: {  	s5 =	sor.u32 @p0 s6, s5  }
0xab: {  	[sflag:s5] =	ssyncadd.remote.s32 @p0 $0x1;
	_ =	sdelay $0x1  }
0xac: {  	s5 =	simm.s32 @p0 $0x1B8D  }
0xad: {  	_ =	swait.eq @p0 [sflag:s5], $0x1  }
0xae: {  	[sflag:s5] =	ssyncadd.s32 @p0 $0xFFFFFFFF  }
0xaf: {  	s6 =	sshll.u32 @!p0 s1, $0xE  }
0xb0: {  	s6 =	sor.u32 @!p0 $0x4000, s6;
	s5 =	simm.s32 @!p0 $0x1B8D  }
0xb1: {  	s4 =	sshll.u32 @!p0 s4, $0x11;
	s6 =	sadd.s32 @!p0 $0x11B8D, s6;
	_ =	swait.eq @!p0 [sflag:s5], $0x1  }
0xb2: {  	s4 =	sor.u32 @!p0 s4, s6;
	[sflag:s5] =	ssyncadd.s32 @!p0 $0xFFFFFFFF  }
0xb3: {  	s25 =	simm.s32 $0x1B8E;
	s24 =	sld [smem:$0x3FFE];
	[sflag:s4] =	ssyncadd.remote.s32 @!p0 $0x1  }
0xb4: {  	s26 =	simm.s32 $execute0_lowered;
	[smem:$0x3FD2] =	sst s25  }
0xb5: {  	s5 =	sshll.u32 s26, $0x1;
	_ =	strace $0x8000004F;
	[dreg:$0x1] =	wrdreg $0xFFFFFFFF  }
0xb6: {  	s28 =	simm.s32 $_size_execute0_lowered;
	s3 =	sadd.s32 s3, s5;
	[dreg:$0x0] =	wrdreg $0x0  }
0xb7: {  	s5 =	sshll.u32 s28, $0x1;
	[dreg:$0x2] =	wrdreg s3  }
0xb8: {  	[dreg:$0x3] =	wrdreg s5  }
0xb9: {  	[dreg:$0x4] =	wrdreg $0xC0  }
0xba: {  	_ =	task [dreg:s22], $0x5FFFF  }
0xbb: {  	[dreg:$0x1] =	wrdreg $0xFFFFFFFF  }
0xbc: {  	[dreg:$0x0] =	wrdreg $0x60  }
0xbd: {  	[dreg:$0x2] =	wrdreg s24  }
0xbe: {  	[dreg:$0x3] =	wrdreg $0x41000  }
0xbf: {  	[dreg:$0x4] =	wrdreg $0x9  }
0xc0: {  	_ =	task.clear_ibuf [dreg:s22], $0x5FFFF;
	_ =	strace $0x9000004F  }
0xc1: {  	s29 =	simm.s32 $0x9;
	_ =	strace $0x80000051  }
0xc2: {  	_ =	swait.ge [sflag:s29], $0x1  }
0xc3: {  	[sflag:s29] =	ssyncadd.s32 $0xFFFFFFFF  }
0xc4: {  	_ =	strace $0x90000051  }
0xc5: {  	_ =	sfence  }
0xc6: {  	s30 =	sld [smem:$0x0];
	_ =	sdelay $0x2  }
0xc7: {  	s31 =	sshll.u32 s1, $0xD;
	s1 =	sshrl.u32 s1, $0x2  }
0xc8: {  	s4 =	sand.u32 $0x4000, s31;
	s1 =	sadd.s32 s1, s30  }
0xc9: {  	s0 =	sor.u32 s4, s0;
	s1 =	sshll.u32 s1, $0x11  }
0xca: {  	s0 =	sor.u32 s1, s0  }
0xcb: {  	s0 =	sadd.s32 $0x8F2B, s0  }
0xcc: {  	[sflag:s0] =	ssyncadd.remote.s32 $0x1  }
0xcd: {  	_ =	sfence.sel $0xFFFF  }
0xce: {  	[dreg:$0x0] =	wrdreg $0xFFFFFFFF;
	(pc) =	sbr.abs _section_cstart, $3  }
0xcf: {  	[dreg:$0x1] =	wrdreg $0xFFFFFFFF  }
0xd0: {  	_ =	task.clear_ibuf [dreg:s22], $0x2FFFF;
	_ =	strace $0x9FFFFFFF  }
0xd1: {  	(tm) =	ssettm $0x7FFFFFFF  }
tec
execute0_lowered:
.L_overlay_start_1:
0x0: {  	(tag) =	ssettag $0x1  }
0x1: {  	s5 =	rddreg [dreg:$0x0]  }
0x2: {  	s2 =	rddreg [dreg:$0x1]  }
0x3: {  	s0 =	rddreg [dreg:$0x2];
	s1 =	stileid.u32  }
0x4: {  	s3 =	simm.s32 $0x0;
	s4 =	srdreg.scid;
	s14 =	simm.s32 $0x80  }
0x5: {  	s15 =	simm.s32 $0x100;
	s16 =	simm.s32 $0x1;
	s6 =	smul.u32 $0x9E0, s1  }
0x6: {  	s17 =	simm.s32 $0x0;
	[smem:$0x7FF] =	sst s3;
	s7 =	smul.u32 $0x14000, s1  }
0x7: {  	s8 =	sand.u32 $0x1, s4;
	s4 =	sadd.s32 $0x68E00, s5;
	s11 =	smul.u32 $0x50000, s1  }
0x8: {  	s30 =	sshll.u32 s1, $0x6;
	_ =	strace $0x80000050;
	s9 =	smul.u32 $0x140000, s8  }
0x9: {  	s28 =	ssub.s32 $0x2, s8;
	s31 =	smul.u32 $0x670, s8;
	p0 =	seq.s32 s8, $0x0  }
0xa: {  	s10 =	sadd.s32 s6, s5;
	s26 =	sshrl.u32 s7, $0x3;
	s12 =	sshrl.u32 s28, $0x1  }
0xb: {  	s11 =	sshrl.u32 s11, $0x2;
	s6 =	sadd.s32 s26, s5;
	s7 =	sadd.s32 s7, s9  }
0xc: {  	s9 =	ssub.s32 s28, s12;
	s29 =	sadd.s32 s11, s2;
	s11 =	sadd.s32 s31, s10  }
0xd: {  	s7 =	sshrl.u32 s7, $0x3;
	s9 =	smax.u32 s9, $0x1;
	s10 =	sadd.s32 $0xF000, s11  }
0xe: {  	s11 =	sadd.s32 $0x5200, s11;
	s12 =	sshrl.u32 s29, $0x3;
	s13 =	sadd.s32 s7, s5  }
0xf: {  	s5 =	sadd.s32 $0x40E00, s6;
	s6 =	sor.u32 $0x1C02, s30;
	s7 =	simm.s32 $0x67  }
0x10: {  	s7 =	simm.s32 @!p0 $0x37;
	s8 =	sadd.s32 $0xE0E00, s13;
	s13 =	simm.s32 $0x2  }
.LBB2_1:
0x11: {  	[spmem:s12], [sflag:s6] =	dma.local [hbm:s5], $0x2800  }
0x12: {  	_ =	swait.ge [sflag:s13], $0x2800  }
0x13: {  	[sflag:s13] =	ssyncset.done $0x0  }
0x14: {  	[sflag:s13] =	ssyncadd.s32 $0xFFFFD800  }
0x15: {  	[bflag:$0x0] =	sbarrier.arrive $0xFFFF  }
0x16: {  	[tilespmem:s3], [sflag:$0x2] =	stream.linear.gather [hbm4b:s11+s3], $0x80, $0x38;
	[tilespmem:$0x18100] =	vst v63  }
0x17: {  	_ =	swait.ge [sflag:s13], $0x80  }
0x18: {  	[sflag:s13] =	ssyncset.done $0x0  }
0x19: {  	[sflag:s13] =	ssyncadd.s32 $0xFFFFFF80  }
0x1a: {  	[tilespmem:s14], [sflag:$0x2] =	stream.linear.gather [hbm4b:s10+s3], $0x80, $0x38;
	[tilespmem:$0x18100] =	vst v63  }
0x1b: {  	_ =	swait.ge [sflag:s13], $0x80  }
0x1c: {  	[sflag:s13] =	ssyncset.done $0x0  }
0x1d: {  	[sflag:s13] =	ssyncadd.s32 $0xFFFFFF80  }
0x1e: {  	[tilespmem:s15], [sflag:$0x1] =	stream.indirect.gather [hbm4b:s4+s14], $0x80, s3, s14, $0xb8;
	[tilespmem:$0x18100] =	vst v63  }
0x1f: {  	p0 =	sne.s32 s7, $0x1;
	_ =	swait.ge [sflag:s16], $0x4000  }
.Ltmp0:
0x20: {  	[sflag:s16] =	ssyncset.done $0x0;
	(pc) =	sbr.rel @!p0 .LBB2_3-.Ltmp0, $4  }
0x21: {  	[sflag:s16] =	ssyncadd.s32 $0xFFFFC000  }
0x22: {  	[spmem:s2] =	stream.indirect.scatter.add.f32 [tilespmem:s15], [sflag:$0x2], $0x80, s14, s14, $0xb8;
	[tilespmem:$0x18100] =	vst v63  }
0x23: {  	s18 =	sadd.s32 $0xFFFFFFFF, s7;
	_ =	swait.ge [sflag:s13], $0x4000  }
0x24: {  	s19 =	smov.u32 s10;
	s20 =	smov.u32 s11;
	[sflag:s13] =	ssyncset.done $0x0  }
.LBB2_2:
0x25: {  	[sflag:s13] =	ssyncadd.s32 $0xFFFFC000;
	s19 =	sadd.s32 $0x10, s19;
	s20 =	sadd.s32 $0x10, s20  }
0x26: {  	[tilespmem:s3], [sflag:$0x2] =	stream.linear.gather [hbm4b:s20+s3], $0x80, $0x38;
	[tilespmem:$0x18100] =	vst v63  }
0x27: {  	p0 =	sne.s32 s18, $0x1;
	s18 =	sadd.s32 $0xFFFFFFFF, s18;
	_ =	swait.ge [sflag:s13], $0x80  }
0x28: {  	[sflag:s13] =	ssyncset.done $0x0  }
0x29: {  	[sflag:s13] =	ssyncadd.s32 $0xFFFFFF80  }
0x2a: {  	[tilespmem:s14], [sflag:$0x2] =	stream.linear.gather [hbm4b:s19+s3], $0x80, $0x38;
	[tilespmem:$0x18100] =	vst v63  }
0x2b: {  	_ =	swait.ge [sflag:s13], $0x80  }
0x2c: {  	[sflag:s13] =	ssyncset.done $0x0  }
0x2d: {  	[sflag:s13] =	ssyncadd.s32 $0xFFFFFF80  }
0x2e: {  	[tilespmem:s15], [sflag:$0x1] =	stream.indirect.gather [hbm4b:s4+s14], $0x80, s3, s14, $0xb8;
	[tilespmem:$0x18100] =	vst v63  }
0x2f: {  	_ =	swait.ge [sflag:s16], $0x4000  }
.Ltmp1:
0x30: {  	[sflag:s16] =	ssyncset.done $0x0;
	(pc) =	sbr.rel @p0 .LBB2_2-.Ltmp1, $4  }
0x31: {  	[sflag:s16] =	ssyncadd.s32 $0xFFFFC000  }
0x32: {  	[spmem:s2] =	stream.indirect.scatter.add.f32 [tilespmem:s15], [sflag:$0x2], $0x80, s14, s14, $0xb8;
	[tilespmem:$0x18100] =	vst v63  }
0x33: {  	_ =	swait.ge [sflag:s13], $0x4000  }
0x34: {  	[sflag:s13] =	ssyncset.done $0x0  }
.LBB2_3:
0x35: {  	s17 =	sadd.s32 $0x1, s17  }
0x36: {  	[sflag:s13] =	ssyncadd.s32 $0xFFFFC000;
	p0 =	sne.s32 s17, s9  }
.Ltmp2:
0x37: {  	[bflag:$0x0] =	sbarrier.arrive $0xFFFF;
	(pc) =	sbr.rel @p0 .LBB2_1-.Ltmp2, $4  }
0x38: {  	[hbm:s8], [sflag:s6] =	dma.local [spmem:s12], $0x2800  }
0x39: {  	_ =	swait.ge [sflag:s13], $0x2800  }
0x3a: {  	[sflag:s13] =	ssyncset.done $0x0  }
0x3b: {  	[sflag:s13] =	ssyncadd.s32 $0xFFFFD800  }
0x3c: {  	_ =	sfence.sel $0x180000  }
0x3d: {  	[bflag:$0x0] =	sbarrier.arrive $0xFFFF  }
0x3e: {  	p0 =	sne.s32 s1, $0x0;
	_ =	strace $0x90000050  }
0x3f: {  	s0 =	sadd.s32 @!p0 $0x100000, s0;
	[bflag:$0x2] =	sbarrier.arrive $0xFFFF  }
0x40: {  	[sflag:s0] =	ssyncadd.tile.s32 @!p0 $0x1;
	_ =	shalt  }
.Lfunc_end2:
_tile_overlayer_lowered:
.L_overlay_start_2:
0x41: {  	(tag) =	ssettag $0x2  }
0x42: {  	s0 =	rddreg [dreg:$0x0];
	s2 =	stileid.u32  }
0x43: {  	s1 =	rddreg [dreg:$0x1];
	p0 =	sne.s32 s2, $0x0  }
0x44: {  	s3 =	rddreg [dreg:$0x2];
	[bflag:$0x3] =	sbarrier.arrive $0xFFFF;
	s2 =	simm.s32 @!p0 $0x1C02  }
0x45: {  	[timem:s3], [sflag:s2] =	dma.local @!p0 [hbm:s0], s1  }
0x46: {  	s0 =	simm.s32 @!p0 $0x2  }
0x47: {  	_ =	swait.ge @!p0 [sflag:s0], s1  }
0x48: {  	s1 =	ssub.s32 @!p0 $0x0, s1;
	[sflag:s0] =	ssyncset.done @!p0 $0x0  }
0x49: {  	[sflag:s0] =	ssyncadd.s32 @!p0 s1  }
0x4a: {  	[bflag:$0x3] =	sbarrier.arrive $0xFFFF  }
0x4b: {  	_ =	shalt  }

// kernel: kernel.20.cloned.1.call-start
scs
__scs_entry_jumppad:
0x0: {  	(pc) =	sbr.rel $0x88, $3  }
0x1: {  	(tag) =	ssettag $0x0;
	lr =	simm.s32 $0x1  }
0x2: {  	[smem:$0x3F85] =	sst lr;
	_ =	strace $0xD0000000  }
0x3: {  	_ = 	snop  }
0x4: {  	_ = 	snop  }
0x5: {  	_ = 	snop  }
0x6: {  	_ = 	snop  }
0x7: {  	_ = 	snop  }
__scs_overlays_trampoline_lowered:
0x8: {  	[smem:$0x3F94] =	sst s0  }
0x9: {  	[smem:$0x3F95] =	sst s1  }
0xa: {  	[smem:$0x3F96] =	sst s2  }
0xb: {  	[smem:$0x3F97] =	sst s3  }
0xc: {  	[smem:$0x3F98] =	sst s4  }
0xd: {  	[smem:$0x3F99] =	sst s5  }
0xe: {  	[smem:$0x3F9A] =	sst s6  }
0xf: {  	[smem:$0x3F9B] =	sst s7  }
0x10: {  	[smem:$0x3F9C] =	sst s8  }
0x11: {  	[smem:$0x3F9D] =	sst s9;
	s0 =	simm.s32 @!p0 $0x0  }
0x12: {  	s1 =	sld [smem:$0x3F83];
	s0 =	simm.s32 @p0 $0x1  }
0x13: {  	[smem:$0x3F9E] =	sst s0;
	s0 =	simm.s32 @!p1 $0x0  }
0x14: {  	s2 =	sld [smem:$0x3F82];
	s0 =	simm.s32 @p1 $0x1  }
0x15: {  	[smem:$0x3F9F] =	sst s0;
	s0 =	simm.s32 @!p2 $0x0  }
0x16: {  	s3 =	sld [smem:$0x3FDB];
	s0 =	simm.s32 @p2 $0x1  }
0x17: {  	s4 =	simm.s32 $0x1BF5;
	[smem:$0x3FA1] =	sst s0  }
0x18: {  	s0 =	sld [smem:$0x3F84];
	_ =	swait.ge [sflag:s4], $0x0  }
0x19: {  	s7 =	sld [smem:$0x3F85]  }
0x1a: {  	s8 =	sadd.s32 $0xFFFFE003, lr  }
0x1b: {  	s9 =	sadd.s32 $0xFFFFFEF7, lr;
	s5 =	simm.s32 $0xFFFFFFFF;
	p2 =	slt.u32 s8, $0xFFFFF086  }
0x1c: {  	p1 =	slt.u32 s9, $0xF7A;
	s5 =	simm.s32 @!p2 $0x0  }
0x1d: {  	s5 =	simm.s32 @p1 $0x1;
	p0 =	seq.s32 s7, s2  }
0x1e: {  	s7 =	smul.u32 @!p0 $0xF7A, s2;
	p2 =	seq.s32 @!p0 s5, $0x0  }
0x1f: {  	s9 =	smul.u32 $0xF7A, s1;
	s8 =	simm.s32 @!p0 $0x1BF5;
	p2 =	por !p2, p0  }
0x20: {  	[sflag:s8] =	ssyncset.s32 @!p0 $0xFFFFF086;
	s6 =	sadd.s32 @!p0 s3, s7;
	s7 =	simm.s32 @!p0 $0x108  }
0x21: {  	s3 =	sadd.s32 s3, s9;
	s6 =	sadd.s32 @!p0 $0x88, s6;
	s7 =	simm.s32 @p2 $0x1082  }
0x22: {  	[simem:s7], [sflag:s8] =	dma.local @!p0 [hbm:s6], $0xF7A  }
0x23: {  	s9 =	sor.u32 $0xD0000000, s2;
	s6 =	simm.s32 $0x108;
	_ =	swait.ge @!p0 [sflag:s8], $0x0  }
0x24: {  	s3 =	sadd.s32 $0x88, s3;
	s6 =	simm.s32 @!p1 $0x1082;
	[sflag:s4] =	ssyncset.s32 $0xFFFFF086  }
0x25: {  	[simem:s6], [sflag:s4] =	dma.local [hbm:s3], $0xF7A  }
0x26: {  	[smem:$0x3F85] =	sst s1;
	(tag) =	ssettag s2;
	_ =	strace s9  }
0x27: {  	s1 =	sld [smem:$0x3F95]  }
0x28: {  	s2 =	sld [smem:$0x3F96]  }
0x29: {  	s4 =	sld [smem:$0x3F98]  }
0x2a: {  	p0 =	seq.s32 s5, $0x0;
	s5 =	sld [smem:$0x3F99]  }
0x2b: {  	s6 =	sld [smem:$0x3F9A]  }
0x2c: {  	s7 =	sld [smem:$0x3F9B]  }
0x2d: {  	s3 =	simm.s32 $0x108;
	s8 =	sld [smem:$0x3F9C]  }
0x2e: {  	s3 =	simm.s32 @!p0 $0x1082;
	s9 =	sld [smem:$0x3F9D]  }
0x2f: {  	lr =	sadd.s32 s0, s3;
	s0 =	sld [smem:$0x3F94]  }
0x30: {  	s3 =	sld [smem:$0x3F97]  }
0x31: {  	[smem:$0x3FA0] =	sst s10  }
0x32: {  	s10 =	sld [smem:$0x3F9E];
	_ =	sdelay $0x3  }
0x33: {  	p0 =	seq.s32 s10, $0x1;
	s10 =	sld [smem:$0x3FA0];
	_ =	sdelay $0x3  }
0x34: {  	[smem:$0x3FA0] =	sst s10  }
0x35: {  	s10 =	sld [smem:$0x3F9F];
	_ =	sdelay $0x3  }
0x36: {  	p1 =	seq.s32 s10, $0x1;
	s10 =	sld [smem:$0x3FA0];
	_ =	sdelay $0x3  }
0x37: {  	[smem:$0x3FA0] =	sst s10  }
0x38: {  	s10 =	sld [smem:$0x3FA1]  }
0x39: {  	_ = 	snop;
	(pc) =	sbr.ind lr, $3  }
0x3a: {  	_ = 	snop  }
0x3b: {  	_ = 	snop  }
0x3c: {  	p2 =	seq.s32 s10, $0x1;
	s10 =	sld [smem:$0x3FA0]  }
0x3d: {  	_ =	shalt  }
0x3e: {  	_ =	shalt  }
0x3f: {  	_ =	shalt  }
0x40: {  	_ =	shalt  }
0x41: {  	_ =	shalt  }
0x42: {  	_ =	shalt  }
0x43: {  	_ =	shalt  }
0x44: {  	_ =	shalt  }
0x45: {  	_ =	shalt  }
0x46: {  	_ =	shalt  }
0x47: {  	_ =	shalt  }
0x48: {  	_ =	shalt  }
0x49: {  	_ =	shalt  }
0x4a: {  	_ =	shalt  }
0x4b: {  	_ =	shalt  }
0x4c: {  	_ =	shalt  }
0x4d: {  	_ =	shalt  }
0x4e: {  	_ =	shalt  }
0x4f: {  	_ =	shalt  }
0x50: {  	_ =	shalt  }
0x51: {  	_ =	shalt  }
0x52: {  	_ =	shalt  }
0x53: {  	_ =	shalt  }
0x54: {  	_ =	shalt  }
0x55: {  	_ =	shalt  }
0x56: {  	_ =	shalt  }
0x57: {  	_ =	shalt  }
0x58: {  	_ =	shalt  }
0x59: {  	_ =	shalt  }
0x5a: {  	_ =	shalt  }
0x5b: {  	_ =	shalt  }
0x5c: {  	_ =	shalt  }
0x5d: {  	_ =	shalt  }
0x5e: {  	_ =	shalt  }
0x5f: {  	_ =	shalt  }
0x60: {  	_ =	shalt  }
0x61: {  	_ =	shalt  }
0x62: {  	_ =	shalt  }
0x63: {  	_ =	shalt  }
0x64: {  	_ =	shalt  }
0x65: {  	_ =	shalt  }
0x66: {  	_ =	shalt  }
0x67: {  	_ =	shalt  }
0x68: {  	_ =	shalt  }
0x69: {  	_ =	shalt  }
0x6a: {  	_ =	shalt  }
0x6b: {  	_ =	shalt  }
0x6c: {  	_ =	shalt  }
0x6d: {  	_ =	shalt  }
0x6e: {  	_ =	shalt  }
0x6f: {  	_ =	shalt  }
0x70: {  	_ =	shalt  }
0x71: {  	_ =	shalt  }
0x72: {  	_ =	shalt  }
0x73: {  	_ =	shalt  }
0x74: {  	_ =	shalt  }
0x75: {  	_ =	shalt  }
0x76: {  	_ =	shalt  }
0x77: {  	_ =	shalt  }
0x78: {  	_ =	shalt  }
0x79: {  	_ =	shalt  }
0x7a: {  	_ =	shalt  }
0x7b: {  	_ =	shalt  }
0x7c: {  	_ =	shalt  }
0x7d: {  	_ =	shalt  }
0x7e: {  	_ =	shalt  }
0x7f: {  	_ =	shalt  }
0x80: {  	_ =	shalt  }
0x81: {  	_ =	shalt  }
0x82: {  	_ =	shalt  }
0x83: {  	_ =	shalt  }
0x84: {  	_ =	shalt  }
0x85: {  	_ =	shalt  }
0x86: {  	_ =	shalt  }
0x87: {  	_ =	shalt  }
.Lfunc_end0:
.L_simem_size_0:
called_computation.3_lowered:
.L_overlay_start_0:
0x88: {  	s2 =	sld [smem:$0x3FD9]  }
0x89: {  	s3 =	sld [smem:$0x3FFE];
	_ =	sdelay $0x1  }
0x8a: {  	s1 =	srdreg.scid  }
0x8b: {  	s0 =	sand.u32 $0x1, s1  }
0x8c: {  	s16 =	sshll.u32 s0, $0xA;
	s2 =	sadd.s32 s3, s2  }
0x8d: {  	s2 =	sadd.s32 s2, s16  }
0x8e: {  	[smem:$0x3FAC] =	sst s2  }
0x8f: {  	_ = 	snop  }
0x90: {  	(tm) =	ssettm $0x1  }
0x91: {  	s17 =	sld [smem:$0x3FFB];
	_ =	sdelay $0x3  }
0x92: {  	_ =	strace s17  }
0x93: {  	s2 =	sld [smem:$0x3FFC];
	_ =	sdelay $0x3  }
0x94: {  	_ =	strace s2  }
0x95: {  	s2 =	sld [smem:$0x3FFD];
	_ =	sdelay $0x3  }
0x96: {  	_ =	strace s2  }
0x97: {  	_ =	strace $0x8FFFFFFF  }
0x98: {  	s18 =	sld [smem:$0x3FDB];
	_ =	sdelay $0x1  }
0x99: {  	s19 =	simm.s32 $_scs_section_size  }
0x9a: {  	s4 =	simm.s32 $_size__tile_overlayer_lowered;
	s5 =	simm.s32 $_tile_overlayer_lowered  }
0x9b: {  	s22 =	simm.s32 $0x1BFF;
	s21 =	sshll.u32 s5, $0x1;
	s2 =	sadd.s32 s19, s18  }
0x9c: {  	s6 =	simm.s32 $0x0;
	s20 =	sshll.u32 s4, $0x1;
	s4 =	sadd.s32 s21, s2  }
0x9d: {  	[timem:s6], [sflag:s22] =	dma.local [hbm:s4], s20  }
0x9e: {  	_ =	swait.ge [sflag:s22], s20  }
0x9f: {  	s3 =	ssub.s32 $0x0, s20;
	[sflag:s22] =	ssyncset.done $0x0  }
0xa0: {  	[sflag:s22] =	ssyncadd.s32 s3;
	_ =	sdelay $0x1  }
0xa1: {  	s23 =	simm.s32 $0x1B8B  }
0xa2: {  	_ =	swait.ge [sflag:s23], $0x1  }
0xa3: {  	[sflag:s23] =	ssyncset.done $0x0  }
0xa4: {  	s25 =	simm.s32 $0x1B8E;
	s24 =	sld [smem:$0x3FFE];
	[sflag:s23] =	ssyncadd.s32 $0xFFFFFFFF  }
0xa5: {  	s26 =	simm.s32 $execute0_lowered;
	[smem:$0x3FD2] =	sst s25  }
0xa6: {  	s4 =	sshll.u32 s26, $0x1;
	_ =	strace $0x8000004C;
	[dreg:$0x1] =	wrdreg $0xFFFFFFFF  }
0xa7: {  	s28 =	simm.s32 $_size_execute0_lowered;
	s2 =	sadd.s32 s2, s4;
	[dreg:$0x0] =	wrdreg $0x0  }
0xa8: {  	s4 =	sshll.u32 s28, $0x1;
	[dreg:$0x2] =	wrdreg s2  }
0xa9: {  	[dreg:$0x3] =	wrdreg s4  }
0xaa: {  	[dreg:$0x4] =	wrdreg $0xC0  }
0xab: {  	_ =	task [dreg:s6], $0x5FFFF  }
0xac: {  	[dreg:$0x1] =	wrdreg $0xFFFFFFFF  }
0xad: {  	[dreg:$0x0] =	wrdreg $0x60  }
0xae: {  	[dreg:$0x2] =	wrdreg s24  }
0xaf: {  	[dreg:$0x3] =	wrdreg $0x41000  }
0xb0: {  	[dreg:$0x4] =	wrdreg $0xA  }
0xb1: {  	_ =	task.clear_ibuf [dreg:s6], $0x5FFFF;
	_ =	strace $0x9000004C  }
0xb2: {  	s29 =	simm.s32 $0xA;
	_ =	strace $0x8000004E  }
0xb3: {  	_ =	swait.ge [sflag:s29], $0x1  }
0xb4: {  	[sflag:s29] =	ssyncadd.s32 $0xFFFFFFFF  }
0xb5: {  	_ =	strace $0x9000004E  }
0xb6: {  	_ =	sfence  }
0xb7: {  	s30 =	sld [smem:$0x0];
	_ =	sdelay $0x2  }
0xb8: {  	s31 =	sshll.u32 s1, $0xD;
	s1 =	sshrl.u32 s1, $0x2  }
0xb9: {  	s3 =	sand.u32 $0x4000, s31;
	s1 =	sadd.s32 s1, s30  }
0xba: {  	s0 =	sor.u32 s3, s0;
	s1 =	sshll.u32 s1, $0x11  }
0xbb: {  	s0 =	sor.u32 s1, s0  }
0xbc: {  	s0 =	sadd.s32 $0x8F2B, s0  }
0xbd: {  	[sflag:s0] =	ssyncadd.remote.s32 $0x1  }
0xbe: {  	_ =	sfence.sel $0xFFFF  }
0xbf: {  	[dreg:$0x0] =	wrdreg $0xFFFFFFFF;
	(pc) =	sbr.abs _section_cstart, $3  }
0xc0: {  	[dreg:$0x1] =	wrdreg $0xFFFFFFFF  }
0xc1: {  	_ =	task.clear_ibuf [dreg:s6], $0x2FFFF;
	_ =	strace $0x9FFFFFFF  }
0xc2: {  	(tm) =	ssettm $0x7FFFFFFF  }
0xc3: {  	_ =	shalt  }
tec
execute0_lowered:
.L_overlay_start_1:
0x0: {  	(tag) =	ssettag $0x1  }
0x1: {  	s5 =	rddreg [dreg:$0x0]  }
0x2: {  	s2 =	rddreg [dreg:$0x1]  }
0x3: {  	s0 =	rddreg [dreg:$0x2];
	s1 =	stileid.u32  }
0x4: {  	s3 =	simm.s32 $0x0;
	s4 =	srdreg.scid;
	s14 =	simm.s32 $0x80  }
0x5: {  	s15 =	simm.s32 $0x100;
	s16 =	simm.s32 $0x1;
	s6 =	smul.u32 $0x9E0, s1  }
0x6: {  	s17 =	simm.s32 $0x0;
	[smem:$0x7FF] =	sst s3;
	s7 =	smul.u32 $0x14000, s1  }
0x7: {  	s8 =	sand.u32 $0x1, s4;
	s4 =	sadd.s32 $0x18E00, s5;
	s11 =	smul.u32 $0x50000, s1  }
0x8: {  	s30 =	sshll.u32 s1, $0x6;
	_ =	strace $0x8000004D;
	s9 =	smul.u32 $0x140000, s8  }
0x9: {  	s28 =	ssub.s32 $0x2, s8;
	s31 =	smul.u32 $0x670, s8;
	p0 =	seq.s32 s8, $0x0  }
0xa: {  	s10 =	sadd.s32 s6, s5;
	s26 =	sshrl.u32 s7, $0x3;
	s12 =	sshrl.u32 s28, $0x1  }
0xb: {  	s11 =	sshrl.u32 s11, $0x2;
	s6 =	sadd.s32 s26, s5;
	s7 =	sadd.s32 s7, s9  }
0xc: {  	s9 =	ssub.s32 s28, s12;
	s29 =	sadd.s32 s11, s2;
	s11 =	sadd.s32 s31, s10  }
0xd: {  	s7 =	sshrl.u32 s7, $0x3;
	s9 =	smax.u32 s9, $0x1;
	s10 =	sadd.s32 $0xF000, s11  }
0xe: {  	s11 =	sadd.s32 $0x5200, s11;
	s12 =	sshrl.u32 s29, $0x3;
	s13 =	sadd.s32 s7, s5  }
0xf: {  	s5 =	sadd.s32 $0x40E00, s6;
	s6 =	sor.u32 $0x1C02, s30;
	s7 =	simm.s32 $0x67  }
0x10: {  	s7 =	simm.s32 @!p0 $0x37;
	s8 =	sadd.s32 $0x90E00, s13;
	s13 =	simm.s32 $0x2  }
.LBB2_1:
0x11: {  	[spmem:s12], [sflag:s6] =	dma.local [hbm:s5], $0x2800  }
0x12: {  	_ =	swait.ge [sflag:s13], $0x2800  }
0x13: {  	[sflag:s13] =	ssyncset.done $0x0  }
0x14: {  	[sflag:s13] =	ssyncadd.s32 $0xFFFFD800  }
0x15: {  	[bflag:$0x0] =	sbarrier.arrive $0xFFFF  }
0x16: {  	[tilespmem:s3], [sflag:$0x2] =	stream.linear.gather [hbm4b:s11+s3], $0x80, $0x38;
	[tilespmem:$0x18100] =	vst v63  }
0x17: {  	_ =	swait.ge [sflag:s13], $0x80  }
0x18: {  	[sflag:s13] =	ssyncset.done $0x0  }
0x19: {  	[sflag:s13] =	ssyncadd.s32 $0xFFFFFF80  }
0x1a: {  	[tilespmem:s14], [sflag:$0x2] =	stream.linear.gather [hbm4b:s10+s3], $0x80, $0x38;
	[tilespmem:$0x18100] =	vst v63  }
0x1b: {  	_ =	swait.ge [sflag:s13], $0x80  }
0x1c: {  	[sflag:s13] =	ssyncset.done $0x0  }
0x1d: {  	[sflag:s13] =	ssyncadd.s32 $0xFFFFFF80  }
0x1e: {  	[tilespmem:s15], [sflag:$0x1] =	stream.indirect.gather [hbm4b:s4+s14], $0x80, s3, s14, $0xb8;
	[tilespmem:$0x18100] =	vst v63  }
0x1f: {  	p0 =	sne.s32 s7, $0x1;
	_ =	swait.ge [sflag:s16], $0x4000  }
.Ltmp0:
0x20: {  	[sflag:s16] =	ssyncset.done $0x0;
	(pc) =	sbr.rel @!p0 .LBB2_3-.Ltmp0, $4  }
0x21: {  	[sflag:s16] =	ssyncadd.s32 $0xFFFFC000  }
0x22: {  	[spmem:s2] =	stream.indirect.scatter.add.f32 [tilespmem:s15], [sflag:$0x2], $0x80, s14, s14, $0xb8;
	[tilespmem:$0x18100] =	vst v63  }
0x23: {  	s18 =	sadd.s32 $0xFFFFFFFF, s7;
	_ =	swait.ge [sflag:s13], $0x4000  }
0x24: {  	s19 =	smov.u32 s10;
	s20 =	smov.u32 s11;
	[sflag:s13] =	ssyncset.done $0x0  }
.LBB2_2:
0x25: {  	[sflag:s13] =	ssyncadd.s32 $0xFFFFC000;
	s19 =	sadd.s32 $0x10, s19;
	s20 =	sadd.s32 $0x10, s20  }
0x26: {  	[tilespmem:s3], [sflag:$0x2] =	stream.linear.gather [hbm4b:s20+s3], $0x80, $0x38;
	[tilespmem:$0x18100] =	vst v63  }
0x27: {  	p0 =	sne.s32 s18, $0x1;
	s18 =	sadd.s32 $0xFFFFFFFF, s18;
	_ =	swait.ge [sflag:s13], $0x80  }
0x28: {  	[sflag:s13] =	ssyncset.done $0x0  }
0x29: {  	[sflag:s13] =	ssyncadd.s32 $0xFFFFFF80  }
0x2a: {  	[tilespmem:s14], [sflag:$0x2] =	stream.linear.gather [hbm4b:s19+s3], $0x80, $0x38;
	[tilespmem:$0x18100] =	vst v63  }
0x2b: {  	_ =	swait.ge [sflag:s13], $0x80  }
0x2c: {  	[sflag:s13] =	ssyncset.done $0x0  }
0x2d: {  	[sflag:s13] =	ssyncadd.s32 $0xFFFFFF80  }
0x2e: {  	[tilespmem:s15], [sflag:$0x1] =	stream.indirect.gather [hbm4b:s4+s14], $0x80, s3, s14, $0xb8;
	[tilespmem:$0x18100] =	vst v63  }
0x2f: {  	_ =	swait.ge [sflag:s16], $0x4000  }
.Ltmp1:
0x30: {  	[sflag:s16] =	ssyncset.done $0x0;
	(pc) =	sbr.rel @p0 .LBB2_2-.Ltmp1, $4  }
0x31: {  	[sflag:s16] =	ssyncadd.s32 $0xFFFFC000  }
0x32: {  	[spmem:s2] =	stream.indirect.scatter.add.f32 [tilespmem:s15], [sflag:$0x2], $0x80, s14, s14, $0xb8;
	[tilespmem:$0x18100] =	vst v63  }
0x33: {  	_ =	swait.ge [sflag:s13], $0x4000  }
0x34: {  	[sflag:s13] =	ssyncset.done $0x0  }
.LBB2_3:
0x35: {  	s17 =	sadd.s32 $0x1, s17  }
0x36: {  	[sflag:s13] =	ssyncadd.s32 $0xFFFFC000;
	p0 =	sne.s32 s17, s9  }
.Ltmp2:
0x37: {  	[bflag:$0x0] =	sbarrier.arrive $0xFFFF;
	(pc) =	sbr.rel @p0 .LBB2_1-.Ltmp2, $4  }
0x38: {  	[hbm:s8], [sflag:s6] =	dma.local [spmem:s12], $0x2800  }
0x39: {  	_ =	swait.ge [sflag:s13], $0x2800  }
0x3a: {  	[sflag:s13] =	ssyncset.done $0x0  }
0x3b: {  	[sflag:s13] =	ssyncadd.s32 $0xFFFFD800  }
0x3c: {  	_ =	sfence.sel $0x180000  }
0x3d: {  	[bflag:$0x0] =	sbarrier.arrive $0xFFFF  }
0x3e: {  	p0 =	sne.s32 s1, $0x0;
	_ =	strace $0x9000004D  }
0x3f: {  	s0 =	sadd.s32 @!p0 $0x100000, s0;
	[bflag:$0x2] =	sbarrier.arrive $0xFFFF  }
0x40: {  	[sflag:s0] =	ssyncadd.tile.s32 @!p0 $0x1;
	_ =	shalt  }
.Lfunc_end2:
_tile_overlayer_lowered:
.L_overlay_start_2:
0x41: {  	(tag) =	ssettag $0x2  }
0x42: {  	s0 =	rddreg [dreg:$0x0];
	s2 =	stileid.u32  }
0x43: {  	s1 =	rddreg [dreg:$0x1];
	p0 =	sne.s32 s2, $0x0  }
0x44: {  	s3 =	rddreg [dreg:$0x2];
	[bflag:$0x3] =	sbarrier.arrive $0xFFFF;
	s2 =	simm.s32 @!p0 $0x1C02  }
0x45: {  	[timem:s3], [sflag:s2] =	dma.local @!p0 [hbm:s0], s1  }
0x46: {  	s0 =	simm.s32 @!p0 $0x2  }
0x47: {  	_ =	swait.ge @!p0 [sflag:s0], s1  }
0x48: {  	s1 =	ssub.s32 @!p0 $0x0, s1;
	[sflag:s0] =	ssyncset.done @!p0 $0x0  }
0x49: {  	[sflag:s0] =	ssyncadd.s32 @!p0 s1  }
0x4a: {  	[bflag:$0x3] =	sbarrier.arrive $0xFFFF  }
0x4b: {  	_ =	shalt  }

</sc_bundles>
